<compile_context>
chip_gen: v7x
topology: tpu7x:2x2x1
jax: 0.10.2.dev20260603
libtpu: 0.0.44.dev20260713+nightly
codegen_flags: <defaults>
</compile_context>

<pallas_src>
import functools
import math

import jax
import jax.numpy as jnp
from jax import lax
from jax.experimental import pallas as pl
from jax.experimental.pallas import tpu as pltpu
from jax.experimental.pallas import tpu_sc as plsc

_NSPEC = 89
_DIM = 128
_SCALE = 1.0 / math.sqrt(89.0)

_NC = 2
_NS = 16
_NW = _NC * _NS

_N = 100000
_C = 128
_NFULL = _N // _C
_TAIL = _N - _NFULL * _C
_TAIL_OFF = _NFULL * _C
_MAXCHUNKS = _NFULL // _NW + 1
_EXTRA = _NFULL % _NW
_PRELOAD = _MAXCHUNKS * _C
_SHIFT = 96
_NB = 4
_NBLK = (_NSPEC + 7) // 8

_mesh = plsc.VectorSubcoreMesh(core_axis_name="c", subcore_axis_name="s")


@functools.partial(
    pl.kernel,
    out_type=jax.ShapeDtypeStruct((_N, _DIM), jnp.float32),
    mesh=_mesh,
    scratch_types=[
        pltpu.VMEM((_PRELOAD,), jnp.int32),
        pltpu.VMEM((8, _DIM), jnp.float32),
        pltpu.VMEM_SHARED((_NSPEC, _DIM), jnp.float32),
        pltpu.VMEM((_NB, _C, _DIM), jnp.float32),
    ]
    + [pltpu.SemaphoreType.DMA] * (2 * _NB + 1),
)
def _gather(idx_hbm, table_hbm, out_hbm, idx_all, blk_v, table_v, rows, *sems):
    gsem = sems[:_NB]
    wsem = sems[_NB:2 * _NB]
    tsem = sems[2 * _NB]

    sid = lax.axis_index("s")
    wid = sid * _NC + lax.axis_index("c")
    start = wid * (_MAXCHUNKS - 1) + jnp.minimum(wid, _EXTRA)
    is_last = wid == _NW - 1
    shift = jnp.where(is_last, _SHIFT, 0)
    count = (_MAXCHUNKS - 1) + (wid < _EXTRA).astype(jnp.int32)

    @pl.when(sid < _NBLK - 1)
    def _():
        r0 = sid * 8
        pltpu.sync_copy(table_hbm.at[pl.ds(r0, 8)], blk_v)
        for r in range(8):
            for j in range(_DIM // 16):
                blk_v[r, pl.ds(j * 16, 16)] = (
                    blk_v[r, pl.ds(j * 16, 16)] * _SCALE
                )
        pltpu.sync_copy(blk_v, table_v.at[pl.ds(r0, 8)])

    @pl.when(sid == _NBLK - 1)
    def _():
        r0 = (_NBLK - 1) * 8
        pltpu.sync_copy(table_hbm.at[pl.ds(r0, 1)], blk_v.at[pl.ds(0, 1)])
        for j in range(_DIM // 16):
            blk_v[0, pl.ds(j * 16, 16)] = blk_v[0, pl.ds(j * 16, 16)] * _SCALE
        pltpu.sync_copy(blk_v.at[pl.ds(0, 1)], table_v.at[pl.ds(r0, 1)])

    pltpu.sync_copy(idx_hbm.at[pl.ds(start * _C - shift, _PRELOAD)], idx_all)
    plsc.subcore_barrier()

    def _wait_gather(b):
        pltpu.make_async_copy(
            out_hbm.at[pl.ds(0, _C)], rows.at[b], gsem[b]
        ).wait()

    def _wait_write(b):
        pltpu.make_async_copy(
            rows.at[b], out_hbm.at[pl.ds(0, _C)], wsem[b]
        ).wait()

    def _issue_gather(k, b):
        pltpu.async_copy(
            table_v.at[idx_all.at[pl.ds(shift + k * _C, _C)]],
            rows.at[b],
            gsem[b],
        )

    for b in range(_NB):
        _issue_gather(b, b)

    def body(j, carry):
        for b in range(_NB):
            k = j * _NB + b

            @pl.when(k < count)
            def _():
                _wait_gather(b)
                off = (start + k) * _C
                pltpu.async_copy(
                    rows.at[b], out_hbm.at[pl.ds(off, _C)], wsem[b]
                )
                bp = (b - 1) % _NB

                @pl.when(k >= 1)
                def _():
                    _wait_write(bp)
                    kp = k - 1 + _NB

                    @pl.when(kp < count)
                    def _():
                        _issue_gather(kp, bp)

        return carry

    lax.fori_loop(0, (_MAXCHUNKS + _NB - 1) // _NB, body, 0)

    last = count - 1
    for b in range(_NB):
        @pl.when(last % _NB == b)
        def _():
            _wait_write(b)

    @pl.when(is_last)
    def _():
        pltpu.async_copy(
            table_v.at[idx_all.at[pl.ds(_PRELOAD - _TAIL, _TAIL)]],
            rows.at[0].at[pl.ds(0, _TAIL)],
            tsem,
        ).wait()
        pltpu.sync_copy(
            rows.at[0].at[pl.ds(0, _TAIL)], out_hbm.at[pl.ds(_TAIL_OFF, _TAIL)]
        )


def kernel(node_specie, embeddings):
    return _gather(node_specie.astype(jnp.int32), embeddings)

# --- scband reference (transcript-rebuilt; emitter-appended) ---
"""Pipeline reference for scband-linear-node-embedding-block-36146444763338 (READ-ONLY COPY).

The authoritative reference and input builder live on the scoring server;
editing this copy changes nothing except your own understanding.
"""

import jax, jax.numpy as jnp
import numpy as np

NUM_SPECIES = 89
DIM = 128  # irreps_out = '128x0e' -> filter('0e').regroup() keeps all 128 scalar (0e) dims
N_NODES = 100000


def setup_inputs(seed: int = 0) -> dict:
    key = jax.random.key(seed)
    k1, k2 = jax.random.split(key)
    node_specie = jax.random.randint(k1, (N_NODES,), 0, NUM_SPECIES)
    # learned parameter: 'embeddings' param of shape (num_species, irreps_out.dim),
    # initialized with normal(stddev=1.0) as in nn.initializers.normal
    embeddings = jax.random.normal(k2, (NUM_SPECIES, DIM), dtype=jnp.float32)
    return {"node_specie": node_specie, "embeddings": embeddings}


def reference(node_specie, embeddings):
    # w = 1/sqrt(num_species) * embeddings ; output = w[node_specie]
    # (the e3nn IrrepsArray wrapper only tags the array with '128x0e'; the data is w[node_specie])
    w = (1.0 / jnp.sqrt(jnp.float32(NUM_SPECIES))) * embeddings
    out = jnp.take(w, node_specie, axis=0)
    return out

if __name__ == "__main__":
    import jax
    _d = setup_inputs()
    print(jax.jit(kernel)(*tuple(_d.values())))

</pallas_src>

<mosaic_0001>
#map = affine_map<(d0, d1) -> (0)>
#map1 = affine_map<(d0, d1) -> (0, 0)>
module attributes {stable_mosaic.version = 14 : i64} {
  func.func @_gather(%arg0: i32, %arg1: i32, %arg2: memref<100000xi32, #tpu.memory_space<hbm>>, %arg3: memref<89x128xf32, #tpu.memory_space<hbm>>, %arg4: memref<100000x128xf32, #tpu.memory_space<hbm>>, %arg5: memref<3200xi32, #tpu.memory_space<vmem>>, %arg6: memref<8x128xf32, #tpu.memory_space<vmem>>, %arg7: memref<89x128xf32, #tpu.memory_space<vmem_shared>>, %arg8: memref<4x128x128xf32, #tpu.memory_space<vmem>>, %arg9: memref<!tpu.dma_semaphore, #tpu.memory_space<semaphore_mem>>, %arg10: memref<!tpu.dma_semaphore, #tpu.memory_space<semaphore_mem>>, %arg11: memref<!tpu.dma_semaphore, #tpu.memory_space<semaphore_mem>>, %arg12: memref<!tpu.dma_semaphore, #tpu.memory_space<semaphore_mem>>, %arg13: memref<!tpu.dma_semaphore, #tpu.memory_space<semaphore_mem>>, %arg14: memref<!tpu.dma_semaphore, #tpu.memory_space<semaphore_mem>>, %arg15: memref<!tpu.dma_semaphore, #tpu.memory_space<semaphore_mem>>, %arg16: memref<!tpu.dma_semaphore, #tpu.memory_space<semaphore_mem>>, %arg17: memref<!tpu.dma_semaphore, #tpu.memory_space<semaphore_mem>>) attributes {dimension_semantics = [#tpu.dimension_semantics<core_parallel>, #tpu.dimension_semantics<subcore_parallel>], iteration_bounds = array<i64: 2, 16>, scalar_prefetch = 0 : i64, scratch_operands = 13 : i64, tpu.core_type = #tpu.core_type<sc_vector_subcore>, window_params = [{transform_indices = #map}, {transform_indices = #map1}, {transform_indices = #map1}]} {
    %mul3A = arith.constant 2 : i32
    %mul3A_0 = arith.muli %arg1, %mul3A : i32
    %add3A = arith.addi %mul3A_0, %arg0 : i32
    %mul3A_1 = arith.constant 24 : i32
    %mul3A_2 = arith.muli %add3A, %mul3A_1 : i32
    %min3A = arith.constant 13 : i32
    %min3A_3 = arith.minsi %add3A, %min3A : i32
    %add3A_4 = arith.addi %mul3A_2, %min3A_3 : i32
    %eq3A = arith.constant 31 : i32
    %eq3A_5 = arith.cmpi eq, %add3A, %eq3A : i32
    %jit3A = arith.constant 96 : i32
    %jit3A_6 = arith.constant 0 : i32
    %select_n3A = arith.select %eq3A_5, %jit3A, %jit3A_6 : i32
    %lt3A = arith.constant 13 : i32
    %lt3A_7 = arith.cmpi slt, %add3A, %lt3A : i32
    %convert_element_type3A = arith.extui %lt3A_7 : i1 to i32
    %add3A_8 = arith.constant 24 : i32
    %add3A_9 = arith.addi %add3A_8, %convert_element_type3A : i32
    %lt3A_10 = arith.constant 11 : i32
    %lt3A_11 = arith.cmpi slt, %arg1, %lt3A_10 : i32
    %convert_element_type3A_12 = arith.extui %lt3A_11 : i1 to i32
    %cond3A = arith.constant 0 : i32
    %cond3A_13 = arith.cmpi ne, %convert_element_type3A_12, %cond3A : i32
    scf.if %cond3A_13 {
      %mul3A_155 = arith.constant 8 : i32
      %mul3A_156 = arith.muli %arg1, %mul3A_155 : i32
      "tpu.region"() ({
        %run_scoped3A = tpu.sem_alloc : memref<!tpu.dma_semaphore, #tpu.memory_space<semaphore_mem>>
        %dma_start3A_1051 = arith.constant 0 : i32
        %dma_start3A_1052 = tpu.memref_slice %arg3[%mul3A_156, %dma_start3A_1051] : memref<89x128xf32, #tpu.memory_space<hbm>> -> memref<8x128xf32, #tpu.memory_space<hbm>>
        %dma_start3A_1053 = arith.constant 0 : i32
        %dma_start3A_1054 = tpu.memref_slice %arg3[%mul3A_156, %dma_start3A_1053] : memref<89x128xf32, #tpu.memory_space<hbm>> -> memref<8x128xf32, #tpu.memory_space<hbm>>
        tpu.enqueue_dma source(%dma_start3A_1054 : memref<8x128xf32, #tpu.memory_space<hbm>>) target(%arg6 : memref<8x128xf32, #tpu.memory_space<vmem>>) target_semaphore(%run_scoped3A : memref<!tpu.dma_semaphore, #tpu.memory_space<semaphore_mem>>)
        %dma_wait3A = arith.constant 0 : i32
        %dma_wait3A_1055 = tpu.memref_slice %arg3[%mul3A_156, %dma_wait3A] : memref<89x128xf32, #tpu.memory_space<hbm>> -> memref<8x128xf32, #tpu.memory_space<hbm>>
        %dma_wait3A_1056 = arith.constant 0 : i32
        %dma_wait3A_1057 = tpu.memref_slice %arg3[%mul3A_156, %dma_wait3A_1056] : memref<89x128xf32, #tpu.memory_space<hbm>> -> memref<8x128xf32, #tpu.memory_space<hbm>>
        tpu.wait_dma2 semaphore(%run_scoped3A : memref<!tpu.dma_semaphore, #tpu.memory_space<semaphore_mem>>) src(%dma_wait3A_1057 : memref<8x128xf32, #tpu.memory_space<hbm>>) dst(%arg6 : memref<8x128xf32, #tpu.memory_space<vmem>>)
        tpu.yield
      }) : () -> ()
      %get3A = arith.constant 0 : i32
      %get3A_157 = arith.index_cast %get3A : i32 to index
      %get3A_158 = arith.constant 0 : index
      %get3A_159 = tpu.vector_load %arg6[%get3A_157, %get3A_158] {strides = array<i32>} : memref<8x128xf32, #tpu.memory_space<vmem>>, vector<1x16xf32>,
      %get3A_160 = vector.shape_cast %get3A_159 : vector<1x16xf32> to vector<16xf32>
      %mul3A_161 = arith.constant 0.10599979 : f32
      %mul3A_162 = vector.broadcast %mul3A_161 : f32 to vector<16xf32>
      %mul3A_163 = arith.mulf %get3A_160, %mul3A_162 : vector<16xf32>
      %swap3A = arith.constant 0 : i32
      %swap3A_164 = arith.index_cast %swap3A : i32 to index
      %swap3A_165 = arith.constant 0 : index
      %swap3A_166 = tpu.vector_load %arg6[%swap3A_164, %swap3A_165] {strides = array<i32>} : memref<8x128xf32, #tpu.memory_space<vmem>>, vector<1x16xf32>,
      %swap3A_167 = vector.shape_cast %swap3A_166 : vector<1x16xf32> to vector<16xf32>
      %swap3A_168 = vector.shape_cast %mul3A_163 : vector<16xf32> to vector<1x16xf32>
      tpu.vector_store %arg6[%swap3A_164, %swap3A_165], %swap3A_168 {strides = array<i32>} : memref<8x128xf32, #tpu.memory_space<vmem>>, vector<1x16xf32>,
      %get3A_169 = arith.constant 0 : i32
      %get3A_170 = arith.index_cast %get3A_169 : i32 to index
      %get3A_171 = arith.constant 16 : index
      %get3A_172 = tpu.vector_load %arg6[%get3A_170, %get3A_171] {strides = array<i32>} : memref<8x128xf32, #tpu.memory_space<vmem>>, vector<1x16xf32>,
      %get3A_173 = vector.shape_cast %get3A_172 : vector<1x16xf32> to vector<16xf32>
      %mul3A_174 = arith.constant 0.10599979 : f32
      %mul3A_175 = vector.broadcast %mul3A_174 : f32 to vector<16xf32>
      %mul3A_176 = arith.mulf %get3A_173, %mul3A_175 : vector<16xf32>
      %swap3A_177 = arith.constant 0 : i32
      %swap3A_178 = arith.index_cast %swap3A_177 : i32 to index
      %swap3A_179 = arith.constant 16 : index
      %swap3A_180 = tpu.vector_load %arg6[%swap3A_178, %swap3A_179] {strides = array<i32>} : memref<8x128xf32, #tpu.memory_space<vmem>>, vector<1x16xf32>,
      %swap3A_181 = vector.shape_cast %swap3A_180 : vector<1x16xf32> to vector<16xf32>
      %swap3A_182 = vector.shape_cast %mul3A_176 : vector<16xf32> to vector<1x16xf32>
      tpu.vector_store %arg6[%swap3A_178, %swap3A_179], %swap3A_182 {strides = array<i32>} : memref<8x128xf32, #tpu.memory_space<vmem>>, vector<1x16xf32>,
      %get3A_183 = arith.constant 0 : i32
      %get3A_184 = arith.index_cast %get3A_183 : i32 to index
      %get3A_185 = arith.constant 32 : index
      %get3A_186 = tpu.vector_load %arg6[%get3A_184, %get3A_185] {strides = array<i32>} : memref<8x128xf32, #tpu.memory_space<vmem>>, vector<1x16xf32>,
      %get3A_187 = vector.shape_cast %get3A_186 : vector<1x16xf32> to vector<16xf32>
      %mul3A_188 = arith.constant 0.10599979 : f32
      %mul3A_189 = vector.broadcast %mul3A_188 : f32 to vector<16xf32>
      %mul3A_190 = arith.mulf %get3A_187, %mul3A_189 : vector<16xf32>
      %swap3A_191 = arith.constant 0 : i32
      %swap3A_192 = arith.index_cast %swap3A_191 : i32 to index
      %swap3A_193 = arith.constant 32 : index
      %swap3A_194 = tpu.vector_load %arg6[%swap3A_192, %swap3A_193] {strides = array<i32>} : memref<8x128xf32, #tpu.memory_space<vmem>>, vector<1x16xf32>,
      %swap3A_195 = vector.shape_cast %swap3A_194 : vector<1x16xf32> to vector<16xf32>
      %swap3A_196 = vector.shape_cast %mul3A_190 : vector<16xf32> to vector<1x16xf32>
      tpu.vector_store %arg6[%swap3A_192, %swap3A_193], %swap3A_196 {strides = array<i32>} : memref<8x128xf32, #tpu.memory_space<vmem>>, vector<1x16xf32>,
      %get3A_197 = arith.constant 0 : i32
      %get3A_198 = arith.index_cast %get3A_197 : i32 to index
      %get3A_199 = arith.constant 48 : index
      %get3A_200 = tpu.vector_load %arg6[%get3A_198, %get3A_199] {strides = array<i32>} : memref<8x128xf32, #tpu.memory_space<vmem>>, vector<1x16xf32>,
      %get3A_201 = vector.shape_cast %get3A_200 : vector<1x16xf32> to vector<16xf32>
      %mul3A_202 = arith.constant 0.10599979 : f32
      %mul3A_203 = vector.broadcast %mul3A_202 : f32 to vector<16xf32>
      %mul3A_204 = arith.mulf %get3A_201, %mul3A_203 : vector<16xf32>
      %swap3A_205 = arith.constant 0 : i32
      %swap3A_206 = arith.index_cast %swap3A_205 : i32 to index
      %swap3A_207 = arith.constant 48 : index
      %swap3A_208 = tpu.vector_load %arg6[%swap3A_206, %swap3A_207] {strides = array<i32>} : memref<8x128xf32, #tpu.memory_space<vmem>>, vector<1x16xf32>,
      %swap3A_209 = vector.shape_cast %swap3A_208 : vector<1x16xf32> to vector<16xf32>
      %swap3A_210 = vector.shape_cast %mul3A_204 : vector<16xf32> to vector<1x16xf32>
      tpu.vector_store %arg6[%swap3A_206, %swap3A_207], %swap3A_210 {strides = array<i32>} : memref<8x128xf32, #tpu.memory_space<vmem>>, vector<1x16xf32>,
      %get3A_211 = arith.constant 0 : i32
      %get3A_212 = arith.index_cast %get3A_211 : i32 to index
      %get3A_213 = arith.constant 64 : index
      %get3A_214 = tpu.vector_load %arg6[%get3A_212, %get3A_213] {strides = array<i32>} : memref<8x128xf32, #tpu.memory_space<vmem>>, vector<1x16xf32>,
      %get3A_215 = vector.shape_cast %get3A_214 : vector<1x16xf32> to vector<16xf32>
      %mul3A_216 = arith.constant 0.10599979 : f32
      %mul3A_217 = vector.broadcast %mul3A_216 : f32 to vector<16xf32>
      %mul3A_218 = arith.mulf %get3A_215, %mul3A_217 : vector<16xf32>
      %swap3A_219 = arith.constant 0 : i32
      %swap3A_220 = arith.index_cast %swap3A_219 : i32 to index
      %swap3A_221 = arith.constant 64 : index
      %swap3A_222 = tpu.vector_load %arg6[%swap3A_220, %swap3A_221] {strides = array<i32>} : memref<8x128xf32, #tpu.memory_space<vmem>>, vector<1x16xf32>,
      %swap3A_223 = vector.shape_cast %swap3A_222 : vector<1x16xf32> to vector<16xf32>
      %swap3A_224 = vector.shape_cast %mul3A_218 : vector<16xf32> to vector<1x16xf32>
      tpu.vector_store %arg6[%swap3A_220, %swap3A_221], %swap3A_224 {strides = array<i32>} : memref<8x128xf32, #tpu.memory_space<vmem>>, vector<1x16xf32>,
      %get3A_225 = arith.constant 0 : i32
      %get3A_226 = arith.index_cast %get3A_225 : i32 to index
      %get3A_227 = arith.constant 80 : index
      %get3A_228 = tpu.vector_load %arg6[%get3A_226, %get3A_227] {strides = array<i32>} : memref<8x128xf32, #tpu.memory_space<vmem>>, vector<1x16xf32>,
      %get3A_229 = vector.shape_cast %get3A_228 : vector<1x16xf32> to vector<16xf32>
      %mul3A_230 = arith.constant 0.10599979 : f32
      %mul3A_231 = vector.broadcast %mul3A_230 : f32 to vector<16xf32>
      %mul3A_232 = arith.mulf %get3A_229, %mul3A_231 : vector<16xf32>
      %swap3A_233 = arith.constant 0 : i32
      %swap3A_234 = arith.index_cast %swap3A_233 : i32 to index
      %swap3A_235 = arith.constant 80 : index
      %swap3A_236 = tpu.vector_load %arg6[%swap3A_234, %swap3A_235] {strides = array<i32>} : memref<8x128xf32, #tpu.memory_space<vmem>>, vector<1x16xf32>,
      %swap3A_237 = vector.shape_cast %swap3A_236 : vector<1x16xf32> to vector<16xf32>
      %swap3A_238 = vector.shape_cast %mul3A_232 : vector<16xf32> to vector<1x16xf32>
      tpu.vector_store %arg6[%swap3A_234, %swap3A_235], %swap3A_238 {strides = array<i32>} : memref<8x128xf32, #tpu.memory_space<vmem>>, vector<1x16xf32>,
      %get3A_239 = arith.constant 0 : i32
      %get3A_240 = arith.index_cast %get3A_239 : i32 to index
      %get3A_241 = arith.constant 96 : index
      %get3A_242 = tpu.vector_load %arg6[%get3A_240, %get3A_241] {strides = array<i32>} : memref<8x128xf32, #tpu.memory_space<vmem>>, vector<1x16xf32>,
      %get3A_243 = vector.shape_cast %get3A_242 : vector<1x16xf32> to vector<16xf32>
      %mul3A_244 = arith.constant 0.10599979 : f32
      %mul3A_245 = vector.broadcast %mul3A_244 : f32 to vector<16xf32>
      %mul3A_246 = arith.mulf %get3A_243, %mul3A_245 : vector<16xf32>
      %swap3A_247 = arith.constant 0 : i32
      %swap3A_248 = arith.index_cast %swap3A_247 : i32 to index
      %swap3A_249 = arith.constant 96 : index
      %swap3A_250 = tpu.vector_load %arg6[%swap3A_248, %swap3A_249] {strides = array<i32>} : memref<8x128xf32, #tpu.memory_space<vmem>>, vector<1x16xf32>,
      %swap3A_251 = vector.shape_cast %swap3A_250 : vector<1x16xf32> to vector<16xf32>
      %swap3A_252 = vector.shape_cast %mul3A_246 : vector<16xf32> to vector<1x16xf32>
      tpu.vector_store %arg6[%swap3A_248, %swap3A_249], %swap3A_252 {strides = array<i32>} : memref<8x128xf32, #tpu.memory_space<vmem>>, vector<1x16xf32>,
      %get3A_253 = arith.constant 0 : i32
      %get3A_254 = arith.index_cast %get3A_253 : i32 to index
      %get3A_255 = arith.constant 112 : index
      %get3A_256 = tpu.vector_load %arg6[%get3A_254, %get3A_255] {strides = array<i32>} : memref<8x128xf32, #tpu.memory_space<vmem>>, vector<1x16xf32>,
      %get3A_257 = vector.shape_cast %get3A_256 : vector<1x16xf32> to vector<16xf32>
      %mul3A_258 = arith.constant 0.10599979 : f32
      %mul3A_259 = vector.broadcast %mul3A_258 : f32 to vector<16xf32>
      %mul3A_260 = arith.mulf %get3A_257, %mul3A_259 : vector<16xf32>
      %swap3A_261 = arith.constant 0 : i32
      %swap3A_262 = arith.index_cast %swap3A_261 : i32 to index
      %swap3A_263 = arith.constant 112 : index
      %swap3A_264 = tpu.vector_load %arg6[%swap3A_262, %swap3A_263] {strides = array<i32>} : memref<8x128xf32, #tpu.memory_space<vmem>>, vector<1x16xf32>,
      %swap3A_265 = vector.shape_cast %swap3A_264 : vector<1x16xf32> to vector<16xf32>
      %swap3A_266 = vector.shape_cast %mul3A_260 : vector<16xf32> to vector<1x16xf32>
      tpu.vector_store %arg6[%swap3A_262, %swap3A_263], %swap3A_266 {strides = array<i32>} : memref<8x128xf32, #tpu.memory_space<vmem>>, vector<1x16xf32>,
      %get3A_267 = arith.constant 1 : i32
      %get3A_268 = arith.index_cast %get3A_267 : i32 to index
      %get3A_269 = arith.constant 0 : index
      %get3A_270 = tpu.vector_load %arg6[%get3A_268, %get3A_269] {strides = array<i32>} : memref<8x128xf32, #tpu.memory_space<vmem>>, vector<1x16xf32>,
      %get3A_271 = vector.shape_cast %get3A_270 : vector<1x16xf32> to vector<16xf32>
      %mul3A_272 = arith.constant 0.10599979 : f32
      %mul3A_273 = vector.broadcast %mul3A_272 : f32 to vector<16xf32>
      %mul3A_274 = arith.mulf %get3A_271, %mul3A_273 : vector<16xf32>
      %swap3A_275 = arith.constant 1 : i32
      %swap3A_276 = arith.index_cast %swap3A_275 : i32 to index
      %swap3A_277 = arith.constant 0 : index
      %swap3A_278 = tpu.vector_load %arg6[%swap3A_276, %swap3A_277] {strides = array<i32>} : memref<8x128xf32, #tpu.memory_space<vmem>>, vector<1x16xf32>,
      %swap3A_279 = vector.shape_cast %swap3A_278 : vector<1x16xf32> to vector<16xf32>
      %swap3A_280 = vector.shape_cast %mul3A_274 : vector<16xf32> to vector<1x16xf32>
      tpu.vector_store %arg6[%swap3A_276, %swap3A_277], %swap3A_280 {strides = array<i32>} : memref<8x128xf32, #tpu.memory_space<vmem>>, vector<1x16xf32>,
      %get3A_281 = arith.constant 1 : i32
      %get3A_282 = arith.index_cast %get3A_281 : i32 to index
      %get3A_283 = arith.constant 16 : index
      %get3A_284 = tpu.vector_load %arg6[%get3A_282, %get3A_283] {strides = array<i32>} : memref<8x128xf32, #tpu.memory_space<vmem>>, vector<1x16xf32>,
      %get3A_285 = vector.shape_cast %get3A_284 : vector<1x16xf32> to vector<16xf32>
      %mul3A_286 = arith.constant 0.10599979 : f32
      %mul3A_287 = vector.broadcast %mul3A_286 : f32 to vector<16xf32>
      %mul3A_288 = arith.mulf %get3A_285, %mul3A_287 : vector<16xf32>
      %swap3A_289 = arith.constant 1 : i32
      %swap3A_290 = arith.index_cast %swap3A_289 : i32 to index
      %swap3A_291 = arith.constant 16 : index
      %swap3A_292 = tpu.vector_load %arg6[%swap3A_290, %swap3A_291] {strides = array<i32>} : memref<8x128xf32, #tpu.memory_space<vmem>>, vector<1x16xf32>,
      %swap3A_293 = vector.shape_cast %swap3A_292 : vector<1x16xf32> to vector<16xf32>
      %swap3A_294 = vector.shape_cast %mul3A_288 : vector<16xf32> to vector<1x16xf32>
      tpu.vector_store %arg6[%swap3A_290, %swap3A_291], %swap3A_294 {strides = array<i32>} : memref<8x128xf32, #tpu.memory_space<vmem>>, vector<1x16xf32>,
      %get3A_295 = arith.constant 1 : i32
      %get3A_296 = arith.index_cast %get3A_295 : i32 to index
      %get3A_297 = arith.constant 32 : index
      %get3A_298 = tpu.vector_load %arg6[%get3A_296, %get3A_297] {strides = array<i32>} : memref<8x128xf32, #tpu.memory_space<vmem>>, vector<1x16xf32>,
      %get3A_299 = vector.shape_cast %get3A_298 : vector<1x16xf32> to vector<16xf32>
      %mul3A_300 = arith.constant 0.10599979 : f32
      %mul3A_301 = vector.broadcast %mul3A_300 : f32 to vector<16xf32>
      %mul3A_302 = arith.mulf %get3A_299, %mul3A_301 : vector<16xf32>
      %swap3A_303 = arith.constant 1 : i32
      %swap3A_304 = arith.index_cast %swap3A_303 : i32 to index
      %swap3A_305 = arith.constant 32 : index
      %swap3A_306 = tpu.vector_load %arg6[%swap3A_304, %swap3A_305] {strides = array<i32>} : memref<8x128xf32, #tpu.memory_space<vmem>>, vector<1x16xf32>,
      %swap3A_307 = vector.shape_cast %swap3A_306 : vector<1x16xf32> to vector<16xf32>
      %swap3A_308 = vector.shape_cast %mul3A_302 : vector<16xf32> to vector<1x16xf32>
      tpu.vector_store %arg6[%swap3A_304, %swap3A_305], %swap3A_308 {strides = array<i32>} : memref<8x128xf32, #tpu.memory_space<vmem>>, vector<1x16xf32>,
      %get3A_309 = arith.constant 1 : i32
      %get3A_310 = arith.index_cast %get3A_309 : i32 to index
      %get3A_311 = arith.constant 48 : index
      %get3A_312 = tpu.vector_load %arg6[%get3A_310, %get3A_311] {strides = array<i32>} : memref<8x128xf32, #tpu.memory_space<vmem>>, vector<1x16xf32>,
      %get3A_313 = vector.shape_cast %get3A_312 : vector<1x16xf32> to vector<16xf32>
      %mul3A_314 = arith.constant 0.10599979 : f32
      %mul3A_315 = vector.broadcast %mul3A_314 : f32 to vector<16xf32>
      %mul3A_316 = arith.mulf %get3A_313, %mul3A_315 : vector<16xf32>
      %swap3A_317 = arith.constant 1 : i32
      %swap3A_318 = arith.index_cast %swap3A_317 : i32 to index
      %swap3A_319 = arith.constant 48 : index
      %swap3A_320 = tpu.vector_load %arg6[%swap3A_318, %swap3A_319] {strides = array<i32>} : memref<8x128xf32, #tpu.memory_space<vmem>>, vector<1x16xf32>,
      %swap3A_321 = vector.shape_cast %swap3A_320 : vector<1x16xf32> to vector<16xf32>
      %swap3A_322 = vector.shape_cast %mul3A_316 : vector<16xf32> to vector<1x16xf32>
      tpu.vector_store %arg6[%swap3A_318, %swap3A_319], %swap3A_322 {strides = array<i32>} : memref<8x128xf32, #tpu.memory_space<vmem>>, vector<1x16xf32>,
      %get3A_323 = arith.constant 1 : i32
      %get3A_324 = arith.index_cast %get3A_323 : i32 to index
      %get3A_325 = arith.constant 64 : index
      %get3A_326 = tpu.vector_load %arg6[%get3A_324, %get3A_325] {strides = array<i32>} : memref<8x128xf32, #tpu.memory_space<vmem>>, vector<1x16xf32>,
      %get3A_327 = vector.shape_cast %get3A_326 : vector<1x16xf32> to vector<16xf32>
      %mul3A_328 = arith.constant 0.10599979 : f32
      %mul3A_329 = vector.broadcast %mul3A_328 : f32 to vector<16xf32>
      %mul3A_330 = arith.mulf %get3A_327, %mul3A_329 : vector<16xf32>
      %swap3A_331 = arith.constant 1 : i32
      %swap3A_332 = arith.index_cast %swap3A_331 : i32 to index
      %swap3A_333 = arith.constant 64 : index
      %swap3A_334 = tpu.vector_load %arg6[%swap3A_332, %swap3A_333] {strides = array<i32>} : memref<8x128xf32, #tpu.memory_space<vmem>>, vector<1x16xf32>,
      %swap3A_335 = vector.shape_cast %swap3A_334 : vector<1x16xf32> to vector<16xf32>
      %swap3A_336 = vector.shape_cast %mul3A_330 : vector<16xf32> to vector<1x16xf32>
      tpu.vector_store %arg6[%swap3A_332, %swap3A_333], %swap3A_336 {strides = array<i32>} : memref<8x128xf32, #tpu.memory_space<vmem>>, vector<1x16xf32>,
      %get3A_337 = arith.constant 1 : i32
      %get3A_338 = arith.index_cast %get3A_337 : i32 to index
      %get3A_339 = arith.constant 80 : index
      %get3A_340 = tpu.vector_load %arg6[%get3A_338, %get3A_339] {strides = array<i32>} : memref<8x128xf32, #tpu.memory_space<vmem>>, vector<1x16xf32>,
      %get3A_341 = vector.shape_cast %get3A_340 : vector<1x16xf32> to vector<16xf32>
      %mul3A_342 = arith.constant 0.10599979 : f32
      %mul3A_343 = vector.broadcast %mul3A_342 : f32 to vector<16xf32>
      %mul3A_344 = arith.mulf %get3A_341, %mul3A_343 : vector<16xf32>
      %swap3A_345 = arith.constant 1 : i32
      %swap3A_346 = arith.index_cast %swap3A_345 : i32 to index
      %swap3A_347 = arith.constant 80 : index
      %swap3A_348 = tpu.vector_load %arg6[%swap3A_346, %swap3A_347] {strides = array<i32>} : memref<8x128xf32, #tpu.memory_space<vmem>>, vector<1x16xf32>,
      %swap3A_349 = vector.shape_cast %swap3A_348 : vector<1x16xf32> to vector<16xf32>
      %swap3A_350 = vector.shape_cast %mul3A_344 : vector<16xf32> to vector<1x16xf32>
      tpu.vector_store %arg6[%swap3A_346, %swap3A_347], %swap3A_350 {strides = array<i32>} : memref<8x128xf32, #tpu.memory_space<vmem>>, vector<1x16xf32>,
      %get3A_351 = arith.constant 1 : i32
      %get3A_352 = arith.index_cast %get3A_351 : i32 to index
      %get3A_353 = arith.constant 96 : index
      %get3A_354 = tpu.vector_load %arg6[%get3A_352, %get3A_353] {strides = array<i32>} : memref<8x128xf32, #tpu.memory_space<vmem>>, vector<1x16xf32>,
      %get3A_355 = vector.shape_cast %get3A_354 : vector<1x16xf32> to vector<16xf32>
      %mul3A_356 = arith.constant 0.10599979 : f32
      %mul3A_357 = vector.broadcast %mul3A_356 : f32 to vector<16xf32>
      %mul3A_358 = arith.mulf %get3A_355, %mul3A_357 : vector<16xf32>
      %swap3A_359 = arith.constant 1 : i32
      %swap3A_360 = arith.index_cast %swap3A_359 : i32 to index
      %swap3A_361 = arith.constant 96 : index
      %swap3A_362 = tpu.vector_load %arg6[%swap3A_360, %swap3A_361] {strides = array<i32>} : memref<8x128xf32, #tpu.memory_space<vmem>>, vector<1x16xf32>,
      %swap3A_363 = vector.shape_cast %swap3A_362 : vector<1x16xf32> to vector<16xf32>
      %swap3A_364 = vector.shape_cast %mul3A_358 : vector<16xf32> to vector<1x16xf32>
      tpu.vector_store %arg6[%swap3A_360, %swap3A_361], %swap3A_364 {strides = array<i32>} : memref<8x128xf32, #tpu.memory_space<vmem>>, vector<1x16xf32>,
      %get3A_365 = arith.constant 1 : i32
      %get3A_366 = arith.index_cast %get3A_365 : i32 to index
      %get3A_367 = arith.constant 112 : index
      %get3A_368 = tpu.vector_load %arg6[%get3A_366, %get3A_367] {strides = array<i32>} : memref<8x128xf32, #tpu.memory_space<vmem>>, vector<1x16xf32>,
      %get3A_369 = vector.shape_cast %get3A_368 : vector<1x16xf32> to vector<16xf32>
      %mul3A_370 = arith.constant 0.10599979 : f32
      %mul3A_371 = vector.broadcast %mul3A_370 : f32 to vector<16xf32>
      %mul3A_372 = arith.mulf %get3A_369, %mul3A_371 : vector<16xf32>
      %swap3A_373 = arith.constant 1 : i32
      %swap3A_374 = arith.index_cast %swap3A_373 : i32 to index
      %swap3A_375 = arith.constant 112 : index
      %swap3A_376 = tpu.vector_load %arg6[%swap3A_374, %swap3A_375] {strides = array<i32>} : memref<8x128xf32, #tpu.memory_space<vmem>>, vector<1x16xf32>,
      %swap3A_377 = vector.shape_cast %swap3A_376 : vector<1x16xf32> to vector<16xf32>
      %swap3A_378 = vector.shape_cast %mul3A_372 : vector<16xf32> to vector<1x16xf32>
      tpu.vector_store %arg6[%swap3A_374, %swap3A_375], %swap3A_378 {strides = array<i32>} : memref<8x128xf32, #tpu.memory_space<vmem>>, vector<1x16xf32>,
      %get3A_379 = arith.constant 2 : i32
      %get3A_380 = arith.index_cast %get3A_379 : i32 to index
      %get3A_381 = arith.constant 0 : index
      %get3A_382 = tpu.vector_load %arg6[%get3A_380, %get3A_381] {strides = array<i32>} : memref<8x128xf32, #tpu.memory_space<vmem>>, vector<1x16xf32>,
      %get3A_383 = vector.shape_cast %get3A_382 : vector<1x16xf32> to vector<16xf32>
      %mul3A_384 = arith.constant 0.10599979 : f32
      %mul3A_385 = vector.broadcast %mul3A_384 : f32 to vector<16xf32>
      %mul3A_386 = arith.mulf %get3A_383, %mul3A_385 : vector<16xf32>
      %swap3A_387 = arith.constant 2 : i32
      %swap3A_388 = arith.index_cast %swap3A_387 : i32 to index
      %swap3A_389 = arith.constant 0 : index
      %swap3A_390 = tpu.vector_load %arg6[%swap3A_388, %swap3A_389] {strides = array<i32>} : memref<8x128xf32, #tpu.memory_space<vmem>>, vector<1x16xf32>,
      %swap3A_391 = vector.shape_cast %swap3A_390 : vector<1x16xf32> to vector<16xf32>
      %swap3A_392 = vector.shape_cast %mul3A_386 : vector<16xf32> to vector<1x16xf32>
      tpu.vector_store %arg6[%swap3A_388, %swap3A_389], %swap3A_392 {strides = array<i32>} : memref<8x128xf32, #tpu.memory_space<vmem>>, vector<1x16xf32>,
      %get3A_393 = arith.constant 2 : i32
      %get3A_394 = arith.index_cast %get3A_393 : i32 to index
      %get3A_395 = arith.constant 16 : index
      %get3A_396 = tpu.vector_load %arg6[%get3A_394, %get3A_395] {strides = array<i32>} : memref<8x128xf32, #tpu.memory_space<vmem>>, vector<1x16xf32>,
      %get3A_397 = vector.shape_cast %get3A_396 : vector<1x16xf32> to vector<16xf32>
      %mul3A_398 = arith.constant 0.10599979 : f32
      %mul3A_399 = vector.broadcast %mul3A_398 : f32 to vector<16xf32>
      %mul3A_400 = arith.mulf %get3A_397, %mul3A_399 : vector<16xf32>
      %swap3A_401 = arith.constant 2 : i32
      %swap3A_402 = arith.index_cast %swap3A_401 : i32 to index
      %swap3A_403 = arith.constant 16 : index
      %swap3A_404 = tpu.vector_load %arg6[%swap3A_402, %swap3A_403] {strides = array<i32>} : memref<8x128xf32, #tpu.memory_space<vmem>>, vector<1x16xf32>,
      %swap3A_405 = vector.shape_cast %swap3A_404 : vector<1x16xf32> to vector<16xf32>
      %swap3A_406 = vector.shape_cast %mul3A_400 : vector<16xf32> to vector<1x16xf32>
      tpu.vector_store %arg6[%swap3A_402, %swap3A_403], %swap3A_406 {strides = array<i32>} : memref<8x128xf32, #tpu.memory_space<vmem>>, vector<1x16xf32>,
      %get3A_407 = arith.constant 2 : i32
      %get3A_408 = arith.index_cast %get3A_407 : i32 to index
      %get3A_409 = arith.constant 32 : index
      %get3A_410 = tpu.vector_load %arg6[%get3A_408, %get3A_409] {strides = array<i32>} : memref<8x128xf32, #tpu.memory_space<vmem>>, vector<1x16xf32>,
      %get3A_411 = vector.shape_cast %get3A_410 : vector<1x16xf32> to vector<16xf32>
      %mul3A_412 = arith.constant 0.10599979 : f32
      %mul3A_413 = vector.broadcast %mul3A_412 : f32 to vector<16xf32>
      %mul3A_414 = arith.mulf %get3A_411, %mul3A_413 : vector<16xf32>
      %swap3A_415 = arith.constant 2 : i32
      %swap3A_416 = arith.index_cast %swap3A_415 : i32 to index
      %swap3A_417 = arith.constant 32 : index
      %swap3A_418 = tpu.vector_load %arg6[%swap3A_416, %swap3A_417] {strides = array<i32>} : memref<8x128xf32, #tpu.memory_space<vmem>>, vector<1x16xf32>,
      %swap3A_419 = vector.shape_cast %swap3A_418 : vector<1x16xf32> to vector<16xf32>
      %swap3A_420 = vector.shape_cast %mul3A_414 : vector<16xf32> to vector<1x16xf32>
      tpu.vector_store %arg6[%swap3A_416, %swap3A_417], %swap3A_420 {strides = array<i32>} : memref<8x128xf32, #tpu.memory_space<vmem>>, vector<1x16xf32>,
      %get3A_421 = arith.constant 2 : i32
      %get3A_422 = arith.index_cast %get3A_421 : i32 to index
      %get3A_423 = arith.constant 48 : index
      %get3A_424 = tpu.vector_load %arg6[%get3A_422, %get3A_423] {strides = array<i32>} : memref<8x128xf32, #tpu.memory_space<vmem>>, vector<1x16xf32>,
      %get3A_425 = vector.shape_cast %get3A_424 : vector<1x16xf32> to vector<16xf32>
      %mul3A_426 = arith.constant 0.10599979 : f32
      %mul3A_427 = vector.broadcast %mul3A_426 : f32 to vector<16xf32>
      %mul3A_428 = arith.mulf %get3A_425, %mul3A_427 : vector<16xf32>
      %swap3A_429 = arith.constant 2 : i32
      %swap3A_430 = arith.index_cast %swap3A_429 : i32 to index
      %swap3A_431 = arith.constant 48 : index
      %swap3A_432 = tpu.vector_load %arg6[%swap3A_430, %swap3A_431] {strides = array<i32>} : memref<8x128xf32, #tpu.memory_space<vmem>>, vector<1x16xf32>,
      %swap3A_433 = vector.shape_cast %swap3A_432 : vector<1x16xf32> to vector<16xf32>
      %swap3A_434 = vector.shape_cast %mul3A_428 : vector<16xf32> to vector<1x16xf32>
      tpu.vector_store %arg6[%swap3A_430, %swap3A_431], %swap3A_434 {strides = array<i32>} : memref<8x128xf32, #tpu.memory_space<vmem>>, vector<1x16xf32>,
      %get3A_435 = arith.constant 2 : i32
      %get3A_436 = arith.index_cast %get3A_435 : i32 to index
      %get3A_437 = arith.constant 64 : index
      %get3A_438 = tpu.vector_load %arg6[%get3A_436, %get3A_437] {strides = array<i32>} : memref<8x128xf32, #tpu.memory_space<vmem>>, vector<1x16xf32>,
      %get3A_439 = vector.shape_cast %get3A_438 : vector<1x16xf32> to vector<16xf32>
      %mul3A_440 = arith.constant 0.10599979 : f32
      %mul3A_441 = vector.broadcast %mul3A_440 : f32 to vector<16xf32>
      %mul3A_442 = arith.mulf %get3A_439, %mul3A_441 : vector<16xf32>
      %swap3A_443 = arith.constant 2 : i32
      %swap3A_444 = arith.index_cast %swap3A_443 : i32 to index
      %swap3A_445 = arith.constant 64 : index
      %swap3A_446 = tpu.vector_load %arg6[%swap3A_444, %swap3A_445] {strides = array<i32>} : memref<8x128xf32, #tpu.memory_space<vmem>>, vector<1x16xf32>,
      %swap3A_447 = vector.shape_cast %swap3A_446 : vector<1x16xf32> to vector<16xf32>
      %swap3A_448 = vector.shape_cast %mul3A_442 : vector<16xf32> to vector<1x16xf32>
      tpu.vector_store %arg6[%swap3A_444, %swap3A_445], %swap3A_448 {strides = array<i32>} : memref<8x128xf32, #tpu.memory_space<vmem>>, vector<1x16xf32>,
      %get3A_449 = arith.constant 2 : i32
      %get3A_450 = arith.index_cast %get3A_449 : i32 to index
      %get3A_451 = arith.constant 80 : index
      %get3A_452 = tpu.vector_load %arg6[%get3A_450, %get3A_451] {strides = array<i32>} : memref<8x128xf32, #tpu.memory_space<vmem>>, vector<1x16xf32>,
      %get3A_453 = vector.shape_cast %get3A_452 : vector<1x16xf32> to vector<16xf32>
      %mul3A_454 = arith.constant 0.10599979 : f32
      %mul3A_455 = vector.broadcast %mul3A_454 : f32 to vector<16xf32>
      %mul3A_456 = arith.mulf %get3A_453, %mul3A_455 : vector<16xf32>
      %swap3A_457 = arith.constant 2 : i32
      %swap3A_458 = arith.index_cast %swap3A_457 : i32 to index
      %swap3A_459 = arith.constant 80 : index
      %swap3A_460 = tpu.vector_load %arg6[%swap3A_458, %swap3A_459] {strides = array<i32>} : memref<8x128xf32, #tpu.memory_space<vmem>>, vector<1x16xf32>,
      %swap3A_461 = vector.shape_cast %swap3A_460 : vector<1x16xf32> to vector<16xf32>
      %swap3A_462 = vector.shape_cast %mul3A_456 : vector<16xf32> to vector<1x16xf32>
      tpu.vector_store %arg6[%swap3A_458, %swap3A_459], %swap3A_462 {strides = array<i32>} : memref<8x128xf32, #tpu.memory_space<vmem>>, vector<1x16xf32>,
      %get3A_463 = arith.constant 2 : i32
      %get3A_464 = arith.index_cast %get3A_463 : i32 to index
      %get3A_465 = arith.constant 96 : index
      %get3A_466 = tpu.vector_load %arg6[%get3A_464, %get3A_465] {strides = array<i32>} : memref<8x128xf32, #tpu.memory_space<vmem>>, vector<1x16xf32>,
      %get3A_467 = vector.shape_cast %get3A_466 : vector<1x16xf32> to vector<16xf32>
      %mul3A_468 = arith.constant 0.10599979 : f32
      %mul3A_469 = vector.broadcast %mul3A_468 : f32 to vector<16xf32>
      %mul3A_470 = arith.mulf %get3A_467, %mul3A_469 : vector<16xf32>
      %swap3A_471 = arith.constant 2 : i32
      %swap3A_472 = arith.index_cast %swap3A_471 : i32 to index
      %swap3A_473 = arith.constant 96 : index
      %swap3A_474 = tpu.vector_load %arg6[%swap3A_472, %swap3A_473] {strides = array<i32>} : memref<8x128xf32, #tpu.memory_space<vmem>>, vector<1x16xf32>,
      %swap3A_475 = vector.shape_cast %swap3A_474 : vector<1x16xf32> to vector<16xf32>
      %swap3A_476 = vector.shape_cast %mul3A_470 : vector<16xf32> to vector<1x16xf32>
      tpu.vector_store %arg6[%swap3A_472, %swap3A_473], %swap3A_476 {strides = array<i32>} : memref<8x128xf32, #tpu.memory_space<vmem>>, vector<1x16xf32>,
      %get3A_477 = arith.constant 2 : i32
      %get3A_478 = arith.index_cast %get3A_477 : i32 to index
      %get3A_479 = arith.constant 112 : index
      %get3A_480 = tpu.vector_load %arg6[%get3A_478, %get3A_479] {strides = array<i32>} : memref<8x128xf32, #tpu.memory_space<vmem>>, vector<1x16xf32>,
      %get3A_481 = vector.shape_cast %get3A_480 : vector<1x16xf32> to vector<16xf32>
      %mul3A_482 = arith.constant 0.10599979 : f32
      %mul3A_483 = vector.broadcast %mul3A_482 : f32 to vector<16xf32>
      %mul3A_484 = arith.mulf %get3A_481, %mul3A_483 : vector<16xf32>
      %swap3A_485 = arith.constant 2 : i32
      %swap3A_486 = arith.index_cast %swap3A_485 : i32 to index
      %swap3A_487 = arith.constant 112 : index
      %swap3A_488 = tpu.vector_load %arg6[%swap3A_486, %swap3A_487] {strides = array<i32>} : memref<8x128xf32, #tpu.memory_space<vmem>>, vector<1x16xf32>,
      %swap3A_489 = vector.shape_cast %swap3A_488 : vector<1x16xf32> to vector<16xf32>
      %swap3A_490 = vector.shape_cast %mul3A_484 : vector<16xf32> to vector<1x16xf32>
      tpu.vector_store %arg6[%swap3A_486, %swap3A_487], %swap3A_490 {strides = array<i32>} : memref<8x128xf32, #tpu.memory_space<vmem>>, vector<1x16xf32>,
      %get3A_491 = arith.constant 3 : i32
      %get3A_492 = arith.index_cast %get3A_491 : i32 to index
      %get3A_493 = arith.constant 0 : index
      %get3A_494 = tpu.vector_load %arg6[%get3A_492, %get3A_493] {strides = array<i32>} : memref<8x128xf32, #tpu.memory_space<vmem>>, vector<1x16xf32>,
      %get3A_495 = vector.shape_cast %get3A_494 : vector<1x16xf32> to vector<16xf32>
      %mul3A_496 = arith.constant 0.10599979 : f32
      %mul3A_497 = vector.broadcast %mul3A_496 : f32 to vector<16xf32>
      %mul3A_498 = arith.mulf %get3A_495, %mul3A_497 : vector<16xf32>
      %swap3A_499 = arith.constant 3 : i32
      %swap3A_500 = arith.index_cast %swap3A_499 : i32 to index
      %swap3A_501 = arith.constant 0 : index
      %swap3A_502 = tpu.vector_load %arg6[%swap3A_500, %swap3A_501] {strides = array<i32>} : memref<8x128xf32, #tpu.memory_space<vmem>>, vector<1x16xf32>,
      %swap3A_503 = vector.shape_cast %swap3A_502 : vector<1x16xf32> to vector<16xf32>
      %swap3A_504 = vector.shape_cast %mul3A_498 : vector<16xf32> to vector<1x16xf32>
      tpu.vector_store %arg6[%swap3A_500, %swap3A_501], %swap3A_504 {strides = array<i32>} : memref<8x128xf32, #tpu.memory_space<vmem>>, vector<1x16xf32>,
      %get3A_505 = arith.constant 3 : i32
      %get3A_506 = arith.index_cast %get3A_505 : i32 to index
      %get3A_507 = arith.constant 16 : index
      %get3A_508 = tpu.vector_load %arg6[%get3A_506, %get3A_507] {strides = array<i32>} : memref<8x128xf32, #tpu.memory_space<vmem>>, vector<1x16xf32>,
      %get3A_509 = vector.shape_cast %get3A_508 : vector<1x16xf32> to vector<16xf32>
      %mul3A_510 = arith.constant 0.10599979 : f32
      %mul3A_511 = vector.broadcast %mul3A_510 : f32 to vector<16xf32>
      %mul3A_512 = arith.mulf %get3A_509, %mul3A_511 : vector<16xf32>
      %swap3A_513 = arith.constant 3 : i32
      %swap3A_514 = arith.index_cast %swap3A_513 : i32 to index
      %swap3A_515 = arith.constant 16 : index
      %swap3A_516 = tpu.vector_load %arg6[%swap3A_514, %swap3A_515] {strides = array<i32>} : memref<8x128xf32, #tpu.memory_space<vmem>>, vector<1x16xf32>,
      %swap3A_517 = vector.shape_cast %swap3A_516 : vector<1x16xf32> to vector<16xf32>
      %swap3A_518 = vector.shape_cast %mul3A_512 : vector<16xf32> to vector<1x16xf32>
      tpu.vector_store %arg6[%swap3A_514, %swap3A_515], %swap3A_518 {strides = array<i32>} : memref<8x128xf32, #tpu.memory_space<vmem>>, vector<1x16xf32>,
      %get3A_519 = arith.constant 3 : i32
      %get3A_520 = arith.index_cast %get3A_519 : i32 to index
      %get3A_521 = arith.constant 32 : index
      %get3A_522 = tpu.vector_load %arg6[%get3A_520, %get3A_521] {strides = array<i32>} : memref<8x128xf32, #tpu.memory_space<vmem>>, vector<1x16xf32>,
      %get3A_523 = vector.shape_cast %get3A_522 : vector<1x16xf32> to vector<16xf32>
      %mul3A_524 = arith.constant 0.10599979 : f32
      %mul3A_525 = vector.broadcast %mul3A_524 : f32 to vector<16xf32>
      %mul3A_526 = arith.mulf %get3A_523, %mul3A_525 : vector<16xf32>
      %swap3A_527 = arith.constant 3 : i32
      %swap3A_528 = arith.index_cast %swap3A_527 : i32 to index
      %swap3A_529 = arith.constant 32 : index
      %swap3A_530 = tpu.vector_load %arg6[%swap3A_528, %swap3A_529] {strides = array<i32>} : memref<8x128xf32, #tpu.memory_space<vmem>>, vector<1x16xf32>,
      %swap3A_531 = vector.shape_cast %swap3A_530 : vector<1x16xf32> to vector<16xf32>
      %swap3A_532 = vector.shape_cast %mul3A_526 : vector<16xf32> to vector<1x16xf32>
      tpu.vector_store %arg6[%swap3A_528, %swap3A_529], %swap3A_532 {strides = array<i32>} : memref<8x128xf32, #tpu.memory_space<vmem>>, vector<1x16xf32>,
      %get3A_533 = arith.constant 3 : i32
      %get3A_534 = arith.index_cast %get3A_533 : i32 to index
      %get3A_535 = arith.constant 48 : index
      %get3A_536 = tpu.vector_load %arg6[%get3A_534, %get3A_535] {strides = array<i32>} : memref<8x128xf32, #tpu.memory_space<vmem>>, vector<1x16xf32>,
      %get3A_537 = vector.shape_cast %get3A_536 : vector<1x16xf32> to vector<16xf32>
      %mul3A_538 = arith.constant 0.10599979 : f32
      %mul3A_539 = vector.broadcast %mul3A_538 : f32 to vector<16xf32>
      %mul3A_540 = arith.mulf %get3A_537, %mul3A_539 : vector<16xf32>
      %swap3A_541 = arith.constant 3 : i32
      %swap3A_542 = arith.index_cast %swap3A_541 : i32 to index
      %swap3A_543 = arith.constant 48 : index
      %swap3A_544 = tpu.vector_load %arg6[%swap3A_542, %swap3A_543] {strides = array<i32>} : memref<8x128xf32, #tpu.memory_space<vmem>>, vector<1x16xf32>,
      %swap3A_545 = vector.shape_cast %swap3A_544 : vector<1x16xf32> to vector<16xf32>
      %swap3A_546 = vector.shape_cast %mul3A_540 : vector<16xf32> to vector<1x16xf32>
      tpu.vector_store %arg6[%swap3A_542, %swap3A_543], %swap3A_546 {strides = array<i32>} : memref<8x128xf32, #tpu.memory_space<vmem>>, vector<1x16xf32>,
      %get3A_547 = arith.constant 3 : i32
      %get3A_548 = arith.index_cast %get3A_547 : i32 to index
      %get3A_549 = arith.constant 64 : index
      %get3A_550 = tpu.vector_load %arg6[%get3A_548, %get3A_549] {strides = array<i32>} : memref<8x128xf32, #tpu.memory_space<vmem>>, vector<1x16xf32>,
      %get3A_551 = vector.shape_cast %get3A_550 : vector<1x16xf32> to vector<16xf32>
      %mul3A_552 = arith.constant 0.10599979 : f32
      %mul3A_553 = vector.broadcast %mul3A_552 : f32 to vector<16xf32>
      %mul3A_554 = arith.mulf %get3A_551, %mul3A_553 : vector<16xf32>
      %swap3A_555 = arith.constant 3 : i32
      %swap3A_556 = arith.index_cast %swap3A_555 : i32 to index
      %swap3A_557 = arith.constant 64 : index
      %swap3A_558 = tpu.vector_load %arg6[%swap3A_556, %swap3A_557] {strides = array<i32>} : memref<8x128xf32, #tpu.memory_space<vmem>>, vector<1x16xf32>,
      %swap3A_559 = vector.shape_cast %swap3A_558 : vector<1x16xf32> to vector<16xf32>
      %swap3A_560 = vector.shape_cast %mul3A_554 : vector<16xf32> to vector<1x16xf32>
      tpu.vector_store %arg6[%swap3A_556, %swap3A_557], %swap3A_560 {strides = array<i32>} : memref<8x128xf32, #tpu.memory_space<vmem>>, vector<1x16xf32>,
      %get3A_561 = arith.constant 3 : i32
      %get3A_562 = arith.index_cast %get3A_561 : i32 to index
      %get3A_563 = arith.constant 80 : index
      %get3A_564 = tpu.vector_load %arg6[%get3A_562, %get3A_563] {strides = array<i32>} : memref<8x128xf32, #tpu.memory_space<vmem>>, vector<1x16xf32>,
      %get3A_565 = vector.shape_cast %get3A_564 : vector<1x16xf32> to vector<16xf32>
      %mul3A_566 = arith.constant 0.10599979 : f32
      %mul3A_567 = vector.broadcast %mul3A_566 : f32 to vector<16xf32>
      %mul3A_568 = arith.mulf %get3A_565, %mul3A_567 : vector<16xf32>
      %swap3A_569 = arith.constant 3 : i32
      %swap3A_570 = arith.index_cast %swap3A_569 : i32 to index
      %swap3A_571 = arith.constant 80 : index
      %swap3A_572 = tpu.vector_load %arg6[%swap3A_570, %swap3A_571] {strides = array<i32>} : memref<8x128xf32, #tpu.memory_space<vmem>>, vector<1x16xf32>,
      %swap3A_573 = vector.shape_cast %swap3A_572 : vector<1x16xf32> to vector<16xf32>
      %swap3A_574 = vector.shape_cast %mul3A_568 : vector<16xf32> to vector<1x16xf32>
      tpu.vector_store %arg6[%swap3A_570, %swap3A_571], %swap3A_574 {strides = array<i32>} : memref<8x128xf32, #tpu.memory_space<vmem>>, vector<1x16xf32>,
      %get3A_575 = arith.constant 3 : i32
      %get3A_576 = arith.index_cast %get3A_575 : i32 to index
      %get3A_577 = arith.constant 96 : index
      %get3A_578 = tpu.vector_load %arg6[%get3A_576, %get3A_577] {strides = array<i32>} : memref<8x128xf32, #tpu.memory_space<vmem>>, vector<1x16xf32>,
      %get3A_579 = vector.shape_cast %get3A_578 : vector<1x16xf32> to vector<16xf32>
      %mul3A_580 = arith.constant 0.10599979 : f32
      %mul3A_581 = vector.broadcast %mul3A_580 : f32 to vector<16xf32>
      %mul3A_582 = arith.mulf %get3A_579, %mul3A_581 : vector<16xf32>
      %swap3A_583 = arith.constant 3 : i32
      %swap3A_584 = arith.index_cast %swap3A_583 : i32 to index
      %swap3A_585 = arith.constant 96 : index
      %swap3A_586 = tpu.vector_load %arg6[%swap3A_584, %swap3A_585] {strides = array<i32>} : memref<8x128xf32, #tpu.memory_space<vmem>>, vector<1x16xf32>,
      %swap3A_587 = vector.shape_cast %swap3A_586 : vector<1x16xf32> to vector<16xf32>
      %swap3A_588 = vector.shape_cast %mul3A_582 : vector<16xf32> to vector<1x16xf32>
      tpu.vector_store %arg6[%swap3A_584, %swap3A_585], %swap3A_588 {strides = array<i32>} : memref<8x128xf32, #tpu.memory_space<vmem>>, vector<1x16xf32>,
      %get3A_589 = arith.constant 3 : i32
      %get3A_590 = arith.index_cast %get3A_589 : i32 to index
      %get3A_591 = arith.constant 112 : index
      %get3A_592 = tpu.vector_load %arg6[%get3A_590, %get3A_591] {strides = array<i32>} : memref<8x128xf32, #tpu.memory_space<vmem>>, vector<1x16xf32>,
      %get3A_593 = vector.shape_cast %get3A_592 : vector<1x16xf32> to vector<16xf32>
      %mul3A_594 = arith.constant 0.10599979 : f32
      %mul3A_595 = vector.broadcast %mul3A_594 : f32 to vector<16xf32>
      %mul3A_596 = arith.mulf %get3A_593, %mul3A_595 : vector<16xf32>
      %swap3A_597 = arith.constant 3 : i32
      %swap3A_598 = arith.index_cast %swap3A_597 : i32 to index
      %swap3A_599 = arith.constant 112 : index
      %swap3A_600 = tpu.vector_load %arg6[%swap3A_598, %swap3A_599] {strides = array<i32>} : memref<8x128xf32, #tpu.memory_space<vmem>>, vector<1x16xf32>,
      %swap3A_601 = vector.shape_cast %swap3A_600 : vector<1x16xf32> to vector<16xf32>
      %swap3A_602 = vector.shape_cast %mul3A_596 : vector<16xf32> to vector<1x16xf32>
      tpu.vector_store %arg6[%swap3A_598, %swap3A_599], %swap3A_602 {strides = array<i32>} : memref<8x128xf32, #tpu.memory_space<vmem>>, vector<1x16xf32>,
      %get3A_603 = arith.constant 4 : i32
      %get3A_604 = arith.index_cast %get3A_603 : i32 to index
      %get3A_605 = arith.constant 0 : index
      %get3A_606 = tpu.vector_load %arg6[%get3A_604, %get3A_605] {strides = array<i32>} : memref<8x128xf32, #tpu.memory_space<vmem>>, vector<1x16xf32>,
      %get3A_607 = vector.shape_cast %get3A_606 : vector<1x16xf32> to vector<16xf32>
      %mul3A_608 = arith.constant 0.10599979 : f32
      %mul3A_609 = vector.broadcast %mul3A_608 : f32 to vector<16xf32>
      %mul3A_610 = arith.mulf %get3A_607, %mul3A_609 : vector<16xf32>
      %swap3A_611 = arith.constant 4 : i32
      %swap3A_612 = arith.index_cast %swap3A_611 : i32 to index
      %swap3A_613 = arith.constant 0 : index
      %swap3A_614 = tpu.vector_load %arg6[%swap3A_612, %swap3A_613] {strides = array<i32>} : memref<8x128xf32, #tpu.memory_space<vmem>>, vector<1x16xf32>,
      %swap3A_615 = vector.shape_cast %swap3A_614 : vector<1x16xf32> to vector<16xf32>
      %swap3A_616 = vector.shape_cast %mul3A_610 : vector<16xf32> to vector<1x16xf32>
      tpu.vector_store %arg6[%swap3A_612, %swap3A_613], %swap3A_616 {strides = array<i32>} : memref<8x128xf32, #tpu.memory_space<vmem>>, vector<1x16xf32>,
      %get3A_617 = arith.constant 4 : i32
      %get3A_618 = arith.index_cast %get3A_617 : i32 to index
      %get3A_619 = arith.constant 16 : index
      %get3A_620 = tpu.vector_load %arg6[%get3A_618, %get3A_619] {strides = array<i32>} : memref<8x128xf32, #tpu.memory_space<vmem>>, vector<1x16xf32>,
      %get3A_621 = vector.shape_cast %get3A_620 : vector<1x16xf32> to vector<16xf32>
      %mul3A_622 = arith.constant 0.10599979 : f32
      %mul3A_623 = vector.broadcast %mul3A_622 : f32 to vector<16xf32>
      %mul3A_624 = arith.mulf %get3A_621, %mul3A_623 : vector<16xf32>
      %swap3A_625 = arith.constant 4 : i32
      %swap3A_626 = arith.index_cast %swap3A_625 : i32 to index
      %swap3A_627 = arith.constant 16 : index
      %swap3A_628 = tpu.vector_load %arg6[%swap3A_626, %swap3A_627] {strides = array<i32>} : memref<8x128xf32, #tpu.memory_space<vmem>>, vector<1x16xf32>,
      %swap3A_629 = vector.shape_cast %swap3A_628 : vector<1x16xf32> to vector<16xf32>
      %swap3A_630 = vector.shape_cast %mul3A_624 : vector<16xf32> to vector<1x16xf32>
      tpu.vector_store %arg6[%swap3A_626, %swap3A_627], %swap3A_630 {strides = array<i32>} : memref<8x128xf32, #tpu.memory_space<vmem>>, vector<1x16xf32>,
      %get3A_631 = arith.constant 4 : i32
      %get3A_632 = arith.index_cast %get3A_631 : i32 to index
      %get3A_633 = arith.constant 32 : index
      %get3A_634 = tpu.vector_load %arg6[%get3A_632, %get3A_633] {strides = array<i32>} : memref<8x128xf32, #tpu.memory_space<vmem>>, vector<1x16xf32>,
      %get3A_635 = vector.shape_cast %get3A_634 : vector<1x16xf32> to vector<16xf32>
      %mul3A_636 = arith.constant 0.10599979 : f32
      %mul3A_637 = vector.broadcast %mul3A_636 : f32 to vector<16xf32>
      %mul3A_638 = arith.mulf %get3A_635, %mul3A_637 : vector<16xf32>
      %swap3A_639 = arith.constant 4 : i32
      %swap3A_640 = arith.index_cast %swap3A_639 : i32 to index
      %swap3A_641 = arith.constant 32 : index
      %swap3A_642 = tpu.vector_load %arg6[%swap3A_640, %swap3A_641] {strides = array<i32>} : memref<8x128xf32, #tpu.memory_space<vmem>>, vector<1x16xf32>,
      %swap3A_643 = vector.shape_cast %swap3A_642 : vector<1x16xf32> to vector<16xf32>
      %swap3A_644 = vector.shape_cast %mul3A_638 : vector<16xf32> to vector<1x16xf32>
      tpu.vector_store %arg6[%swap3A_640, %swap3A_641], %swap3A_644 {strides = array<i32>} : memref<8x128xf32, #tpu.memory_space<vmem>>, vector<1x16xf32>,
      %get3A_645 = arith.constant 4 : i32
      %get3A_646 = arith.index_cast %get3A_645 : i32 to index
      %get3A_647 = arith.constant 48 : index
      %get3A_648 = tpu.vector_load %arg6[%get3A_646, %get3A_647] {strides = array<i32>} : memref<8x128xf32, #tpu.memory_space<vmem>>, vector<1x16xf32>,
      %get3A_649 = vector.shape_cast %get3A_648 : vector<1x16xf32> to vector<16xf32>
      %mul3A_650 = arith.constant 0.10599979 : f32
      %mul3A_651 = vector.broadcast %mul3A_650 : f32 to vector<16xf32>
      %mul3A_652 = arith.mulf %get3A_649, %mul3A_651 : vector<16xf32>
      %swap3A_653 = arith.constant 4 : i32
      %swap3A_654 = arith.index_cast %swap3A_653 : i32 to index
      %swap3A_655 = arith.constant 48 : index
      %swap3A_656 = tpu.vector_load %arg6[%swap3A_654, %swap3A_655] {strides = array<i32>} : memref<8x128xf32, #tpu.memory_space<vmem>>, vector<1x16xf32>,
      %swap3A_657 = vector.shape_cast %swap3A_656 : vector<1x16xf32> to vector<16xf32>
      %swap3A_658 = vector.shape_cast %mul3A_652 : vector<16xf32> to vector<1x16xf32>
      tpu.vector_store %arg6[%swap3A_654, %swap3A_655], %swap3A_658 {strides = array<i32>} : memref<8x128xf32, #tpu.memory_space<vmem>>, vector<1x16xf32>,
      %get3A_659 = arith.constant 4 : i32
      %get3A_660 = arith.index_cast %get3A_659 : i32 to index
      %get3A_661 = arith.constant 64 : index
      %get3A_662 = tpu.vector_load %arg6[%get3A_660, %get3A_661] {strides = array<i32>} : memref<8x128xf32, #tpu.memory_space<vmem>>, vector<1x16xf32>,
      %get3A_663 = vector.shape_cast %get3A_662 : vector<1x16xf32> to vector<16xf32>
      %mul3A_664 = arith.constant 0.10599979 : f32
      %mul3A_665 = vector.broadcast %mul3A_664 : f32 to vector<16xf32>
      %mul3A_666 = arith.mulf %get3A_663, %mul3A_665 : vector<16xf32>
      %swap3A_667 = arith.constant 4 : i32
      %swap3A_668 = arith.index_cast %swap3A_667 : i32 to index
      %swap3A_669 = arith.constant 64 : index
      %swap3A_670 = tpu.vector_load %arg6[%swap3A_668, %swap3A_669] {strides = array<i32>} : memref<8x128xf32, #tpu.memory_space<vmem>>, vector<1x16xf32>,
      %swap3A_671 = vector.shape_cast %swap3A_670 : vector<1x16xf32> to vector<16xf32>
      %swap3A_672 = vector.shape_cast %mul3A_666 : vector<16xf32> to vector<1x16xf32>
      tpu.vector_store %arg6[%swap3A_668, %swap3A_669], %swap3A_672 {strides = array<i32>} : memref<8x128xf32, #tpu.memory_space<vmem>>, vector<1x16xf32>,
      %get3A_673 = arith.constant 4 : i32
      %get3A_674 = arith.index_cast %get3A_673 : i32 to index
      %get3A_675 = arith.constant 80 : index
      %get3A_676 = tpu.vector_load %arg6[%get3A_674, %get3A_675] {strides = array<i32>} : memref<8x128xf32, #tpu.memory_space<vmem>>, vector<1x16xf32>,
      %get3A_677 = vector.shape_cast %get3A_676 : vector<1x16xf32> to vector<16xf32>
      %mul3A_678 = arith.constant 0.10599979 : f32
      %mul3A_679 = vector.broadcast %mul3A_678 : f32 to vector<16xf32>
      %mul3A_680 = arith.mulf %get3A_677, %mul3A_679 : vector<16xf32>
      %swap3A_681 = arith.constant 4 : i32
      %swap3A_682 = arith.index_cast %swap3A_681 : i32 to index
      %swap3A_683 = arith.constant 80 : index
      %swap3A_684 = tpu.vector_load %arg6[%swap3A_682, %swap3A_683] {strides = array<i32>} : memref<8x128xf32, #tpu.memory_space<vmem>>, vector<1x16xf32>,
      %swap3A_685 = vector.shape_cast %swap3A_684 : vector<1x16xf32> to vector<16xf32>
      %swap3A_686 = vector.shape_cast %mul3A_680 : vector<16xf32> to vector<1x16xf32>
      tpu.vector_store %arg6[%swap3A_682, %swap3A_683], %swap3A_686 {strides = array<i32>} : memref<8x128xf32, #tpu.memory_space<vmem>>, vector<1x16xf32>,
      %get3A_687 = arith.constant 4 : i32
      %get3A_688 = arith.index_cast %get3A_687 : i32 to index
      %get3A_689 = arith.constant 96 : index
      %get3A_690 = tpu.vector_load %arg6[%get3A_688, %get3A_689] {strides = array<i32>} : memref<8x128xf32, #tpu.memory_space<vmem>>, vector<1x16xf32>,
      %get3A_691 = vector.shape_cast %get3A_690 : vector<1x16xf32> to vector<16xf32>
      %mul3A_692 = arith.constant 0.10599979 : f32
      %mul3A_693 = vector.broadcast %mul3A_692 : f32 to vector<16xf32>
      %mul3A_694 = arith.mulf %get3A_691, %mul3A_693 : vector<16xf32>
      %swap3A_695 = arith.constant 4 : i32
      %swap3A_696 = arith.index_cast %swap3A_695 : i32 to index
      %swap3A_697 = arith.constant 96 : index
      %swap3A_698 = tpu.vector_load %arg6[%swap3A_696, %swap3A_697] {strides = array<i32>} : memref<8x128xf32, #tpu.memory_space<vmem>>, vector<1x16xf32>,
      %swap3A_699 = vector.shape_cast %swap3A_698 : vector<1x16xf32> to vector<16xf32>
      %swap3A_700 = vector.shape_cast %mul3A_694 : vector<16xf32> to vector<1x16xf32>
      tpu.vector_store %arg6[%swap3A_696, %swap3A_697], %swap3A_700 {strides = array<i32>} : memref<8x128xf32, #tpu.memory_space<vmem>>, vector<1x16xf32>,
      %get3A_701 = arith.constant 4 : i32
      %get3A_702 = arith.index_cast %get3A_701 : i32 to index
      %get3A_703 = arith.constant 112 : index
      %get3A_704 = tpu.vector_load %arg6[%get3A_702, %get3A_703] {strides = array<i32>} : memref<8x128xf32, #tpu.memory_space<vmem>>, vector<1x16xf32>,
      %get3A_705 = vector.shape_cast %get3A_704 : vector<1x16xf32> to vector<16xf32>
      %mul3A_706 = arith.constant 0.10599979 : f32
      %mul3A_707 = vector.broadcast %mul3A_706 : f32 to vector<16xf32>
      %mul3A_708 = arith.mulf %get3A_705, %mul3A_707 : vector<16xf32>
      %swap3A_709 = arith.constant 4 : i32
      %swap3A_710 = arith.index_cast %swap3A_709 : i32 to index
      %swap3A_711 = arith.constant 112 : index
      %swap3A_712 = tpu.vector_load %arg6[%swap3A_710, %swap3A_711] {strides = array<i32>} : memref<8x128xf32, #tpu.memory_space<vmem>>, vector<1x16xf32>,
      %swap3A_713 = vector.shape_cast %swap3A_712 : vector<1x16xf32> to vector<16xf32>
      %swap3A_714 = vector.shape_cast %mul3A_708 : vector<16xf32> to vector<1x16xf32>
      tpu.vector_store %arg6[%swap3A_710, %swap3A_711], %swap3A_714 {strides = array<i32>} : memref<8x128xf32, #tpu.memory_space<vmem>>, vector<1x16xf32>,
      %get3A_715 = arith.constant 5 : i32
      %get3A_716 = arith.index_cast %get3A_715 : i32 to index
      %get3A_717 = arith.constant 0 : index
      %get3A_718 = tpu.vector_load %arg6[%get3A_716, %get3A_717] {strides = array<i32>} : memref<8x128xf32, #tpu.memory_space<vmem>>, vector<1x16xf32>,
      %get3A_719 = vector.shape_cast %get3A_718 : vector<1x16xf32> to vector<16xf32>
      %mul3A_720 = arith.constant 0.10599979 : f32
      %mul3A_721 = vector.broadcast %mul3A_720 : f32 to vector<16xf32>
      %mul3A_722 = arith.mulf %get3A_719, %mul3A_721 : vector<16xf32>
      %swap3A_723 = arith.constant 5 : i32
      %swap3A_724 = arith.index_cast %swap3A_723 : i32 to index
      %swap3A_725 = arith.constant 0 : index
      %swap3A_726 = tpu.vector_load %arg6[%swap3A_724, %swap3A_725] {strides = array<i32>} : memref<8x128xf32, #tpu.memory_space<vmem>>, vector<1x16xf32>,
      %swap3A_727 = vector.shape_cast %swap3A_726 : vector<1x16xf32> to vector<16xf32>
      %swap3A_728 = vector.shape_cast %mul3A_722 : vector<16xf32> to vector<1x16xf32>
      tpu.vector_store %arg6[%swap3A_724, %swap3A_725], %swap3A_728 {strides = array<i32>} : memref<8x128xf32, #tpu.memory_space<vmem>>, vector<1x16xf32>,
      %get3A_729 = arith.constant 5 : i32
      %get3A_730 = arith.index_cast %get3A_729 : i32 to index
      %get3A_731 = arith.constant 16 : index
      %get3A_732 = tpu.vector_load %arg6[%get3A_730, %get3A_731] {strides = array<i32>} : memref<8x128xf32, #tpu.memory_space<vmem>>, vector<1x16xf32>,
      %get3A_733 = vector.shape_cast %get3A_732 : vector<1x16xf32> to vector<16xf32>
      %mul3A_734 = arith.constant 0.10599979 : f32
      %mul3A_735 = vector.broadcast %mul3A_734 : f32 to vector<16xf32>
      %mul3A_736 = arith.mulf %get3A_733, %mul3A_735 : vector<16xf32>
      %swap3A_737 = arith.constant 5 : i32
      %swap3A_738 = arith.index_cast %swap3A_737 : i32 to index
      %swap3A_739 = arith.constant 16 : index
      %swap3A_740 = tpu.vector_load %arg6[%swap3A_738, %swap3A_739] {strides = array<i32>} : memref<8x128xf32, #tpu.memory_space<vmem>>, vector<1x16xf32>,
      %swap3A_741 = vector.shape_cast %swap3A_740 : vector<1x16xf32> to vector<16xf32>
      %swap3A_742 = vector.shape_cast %mul3A_736 : vector<16xf32> to vector<1x16xf32>
      tpu.vector_store %arg6[%swap3A_738, %swap3A_739], %swap3A_742 {strides = array<i32>} : memref<8x128xf32, #tpu.memory_space<vmem>>, vector<1x16xf32>,
      %get3A_743 = arith.constant 5 : i32
      %get3A_744 = arith.index_cast %get3A_743 : i32 to index
      %get3A_745 = arith.constant 32 : index
      %get3A_746 = tpu.vector_load %arg6[%get3A_744, %get3A_745] {strides = array<i32>} : memref<8x128xf32, #tpu.memory_space<vmem>>, vector<1x16xf32>,
      %get3A_747 = vector.shape_cast %get3A_746 : vector<1x16xf32> to vector<16xf32>
      %mul3A_748 = arith.constant 0.10599979 : f32
      %mul3A_749 = vector.broadcast %mul3A_748 : f32 to vector<16xf32>
      %mul3A_750 = arith.mulf %get3A_747, %mul3A_749 : vector<16xf32>
      %swap3A_751 = arith.constant 5 : i32
      %swap3A_752 = arith.index_cast %swap3A_751 : i32 to index
      %swap3A_753 = arith.constant 32 : index
      %swap3A_754 = tpu.vector_load %arg6[%swap3A_752, %swap3A_753] {strides = array<i32>} : memref<8x128xf32, #tpu.memory_space<vmem>>, vector<1x16xf32>,
      %swap3A_755 = vector.shape_cast %swap3A_754 : vector<1x16xf32> to vector<16xf32>
      %swap3A_756 = vector.shape_cast %mul3A_750 : vector<16xf32> to vector<1x16xf32>
      tpu.vector_store %arg6[%swap3A_752, %swap3A_753], %swap3A_756 {strides = array<i32>} : memref<8x128xf32, #tpu.memory_space<vmem>>, vector<1x16xf32>,
      %get3A_757 = arith.constant 5 : i32
      %get3A_758 = arith.index_cast %get3A_757 : i32 to index
      %get3A_759 = arith.constant 48 : index
      %get3A_760 = tpu.vector_load %arg6[%get3A_758, %get3A_759] {strides = array<i32>} : memref<8x128xf32, #tpu.memory_space<vmem>>, vector<1x16xf32>,
      %get3A_761 = vector.shape_cast %get3A_760 : vector<1x16xf32> to vector<16xf32>
      %mul3A_762 = arith.constant 0.10599979 : f32
      %mul3A_763 = vector.broadcast %mul3A_762 : f32 to vector<16xf32>
      %mul3A_764 = arith.mulf %get3A_761, %mul3A_763 : vector<16xf32>
      %swap3A_765 = arith.constant 5 : i32
      %swap3A_766 = arith.index_cast %swap3A_765 : i32 to index
      %swap3A_767 = arith.constant 48 : index
      %swap3A_768 = tpu.vector_load %arg6[%swap3A_766, %swap3A_767] {strides = array<i32>} : memref<8x128xf32, #tpu.memory_space<vmem>>, vector<1x16xf32>,
      %swap3A_769 = vector.shape_cast %swap3A_768 : vector<1x16xf32> to vector<16xf32>
      %swap3A_770 = vector.shape_cast %mul3A_764 : vector<16xf32> to vector<1x16xf32>
      tpu.vector_store %arg6[%swap3A_766, %swap3A_767], %swap3A_770 {strides = array<i32>} : memref<8x128xf32, #tpu.memory_space<vmem>>, vector<1x16xf32>,
      %get3A_771 = arith.constant 5 : i32
      %get3A_772 = arith.index_cast %get3A_771 : i32 to index
      %get3A_773 = arith.constant 64 : index
      %get3A_774 = tpu.vector_load %arg6[%get3A_772, %get3A_773] {strides = array<i32>} : memref<8x128xf32, #tpu.memory_space<vmem>>, vector<1x16xf32>,
      %get3A_775 = vector.shape_cast %get3A_774 : vector<1x16xf32> to vector<16xf32>
      %mul3A_776 = arith.constant 0.10599979 : f32
      %mul3A_777 = vector.broadcast %mul3A_776 : f32 to vector<16xf32>
      %mul3A_778 = arith.mulf %get3A_775, %mul3A_777 : vector<16xf32>
      %swap3A_779 = arith.constant 5 : i32
      %swap3A_780 = arith.index_cast %swap3A_779 : i32 to index
      %swap3A_781 = arith.constant 64 : index
      %swap3A_782 = tpu.vector_load %arg6[%swap3A_780, %swap3A_781] {strides = array<i32>} : memref<8x128xf32, #tpu.memory_space<vmem>>, vector<1x16xf32>,
      %swap3A_783 = vector.shape_cast %swap3A_782 : vector<1x16xf32> to vector<16xf32>
      %swap3A_784 = vector.shape_cast %mul3A_778 : vector<16xf32> to vector<1x16xf32>
      tpu.vector_store %arg6[%swap3A_780, %swap3A_781], %swap3A_784 {strides = array<i32>} : memref<8x128xf32, #tpu.memory_space<vmem>>, vector<1x16xf32>,
      %get3A_785 = arith.constant 5 : i32
      %get3A_786 = arith.index_cast %get3A_785 : i32 to index
      %get3A_787 = arith.constant 80 : index
      %get3A_788 = tpu.vector_load %arg6[%get3A_786, %get3A_787] {strides = array<i32>} : memref<8x128xf32, #tpu.memory_space<vmem>>, vector<1x16xf32>,
      %get3A_789 = vector.shape_cast %get3A_788 : vector<1x16xf32> to vector<16xf32>
      %mul3A_790 = arith.constant 0.10599979 : f32
      %mul3A_791 = vector.broadcast %mul3A_790 : f32 to vector<16xf32>
      %mul3A_792 = arith.mulf %get3A_789, %mul3A_791 : vector<16xf32>
      %swap3A_793 = arith.constant 5 : i32
      %swap3A_794 = arith.index_cast %swap3A_793 : i32 to index
      %swap3A_795 = arith.constant 80 : index
      %swap3A_796 = tpu.vector_load %arg6[%swap3A_794, %swap3A_795] {strides = array<i32>} : memref<8x128xf32, #tpu.memory_space<vmem>>, vector<1x16xf32>,
      %swap3A_797 = vector.shape_cast %swap3A_796 : vector<1x16xf32> to vector<16xf32>
      %swap3A_798 = vector.shape_cast %mul3A_792 : vector<16xf32> to vector<1x16xf32>
      tpu.vector_store %arg6[%swap3A_794, %swap3A_795], %swap3A_798 {strides = array<i32>} : memref<8x128xf32, #tpu.memory_space<vmem>>, vector<1x16xf32>,
      %get3A_799 = arith.constant 5 : i32
      %get3A_800 = arith.index_cast %get3A_799 : i32 to index
      %get3A_801 = arith.constant 96 : index
      %get3A_802 = tpu.vector_load %arg6[%get3A_800, %get3A_801] {strides = array<i32>} : memref<8x128xf32, #tpu.memory_space<vmem>>, vector<1x16xf32>,
      %get3A_803 = vector.shape_cast %get3A_802 : vector<1x16xf32> to vector<16xf32>
      %mul3A_804 = arith.constant 0.10599979 : f32
      %mul3A_805 = vector.broadcast %mul3A_804 : f32 to vector<16xf32>
      %mul3A_806 = arith.mulf %get3A_803, %mul3A_805 : vector<16xf32>
      %swap3A_807 = arith.constant 5 : i32
      %swap3A_808 = arith.index_cast %swap3A_807 : i32 to index
      %swap3A_809 = arith.constant 96 : index
      %swap3A_810 = tpu.vector_load %arg6[%swap3A_808, %swap3A_809] {strides = array<i32>} : memref<8x128xf32, #tpu.memory_space<vmem>>, vector<1x16xf32>,
      %swap3A_811 = vector.shape_cast %swap3A_810 : vector<1x16xf32> to vector<16xf32>
      %swap3A_812 = vector.shape_cast %mul3A_806 : vector<16xf32> to vector<1x16xf32>
      tpu.vector_store %arg6[%swap3A_808, %swap3A_809], %swap3A_812 {strides = array<i32>} : memref<8x128xf32, #tpu.memory_space<vmem>>, vector<1x16xf32>,
      %get3A_813 = arith.constant 5 : i32
      %get3A_814 = arith.index_cast %get3A_813 : i32 to index
      %get3A_815 = arith.constant 112 : index
      %get3A_816 = tpu.vector_load %arg6[%get3A_814, %get3A_815] {strides = array<i32>} : memref<8x128xf32, #tpu.memory_space<vmem>>, vector<1x16xf32>,
      %get3A_817 = vector.shape_cast %get3A_816 : vector<1x16xf32> to vector<16xf32>
      %mul3A_818 = arith.constant 0.10599979 : f32
      %mul3A_819 = vector.broadcast %mul3A_818 : f32 to vector<16xf32>
      %mul3A_820 = arith.mulf %get3A_817, %mul3A_819 : vector<16xf32>
      %swap3A_821 = arith.constant 5 : i32
      %swap3A_822 = arith.index_cast %swap3A_821 : i32 to index
      %swap3A_823 = arith.constant 112 : index
      %swap3A_824 = tpu.vector_load %arg6[%swap3A_822, %swap3A_823] {strides = array<i32>} : memref<8x128xf32, #tpu.memory_space<vmem>>, vector<1x16xf32>,
      %swap3A_825 = vector.shape_cast %swap3A_824 : vector<1x16xf32> to vector<16xf32>
      %swap3A_826 = vector.shape_cast %mul3A_820 : vector<16xf32> to vector<1x16xf32>
      tpu.vector_store %arg6[%swap3A_822, %swap3A_823], %swap3A_826 {strides = array<i32>} : memref<8x128xf32, #tpu.memory_space<vmem>>, vector<1x16xf32>,
      %get3A_827 = arith.constant 6 : i32
      %get3A_828 = arith.index_cast %get3A_827 : i32 to index
      %get3A_829 = arith.constant 0 : index
      %get3A_830 = tpu.vector_load %arg6[%get3A_828, %get3A_829] {strides = array<i32>} : memref<8x128xf32, #tpu.memory_space<vmem>>, vector<1x16xf32>,
      %get3A_831 = vector.shape_cast %get3A_830 : vector<1x16xf32> to vector<16xf32>
      %mul3A_832 = arith.constant 0.10599979 : f32
      %mul3A_833 = vector.broadcast %mul3A_832 : f32 to vector<16xf32>
      %mul3A_834 = arith.mulf %get3A_831, %mul3A_833 : vector<16xf32>
      %swap3A_835 = arith.constant 6 : i32
      %swap3A_836 = arith.index_cast %swap3A_835 : i32 to index
      %swap3A_837 = arith.constant 0 : index
      %swap3A_838 = tpu.vector_load %arg6[%swap3A_836, %swap3A_837] {strides = array<i32>} : memref<8x128xf32, #tpu.memory_space<vmem>>, vector<1x16xf32>,
      %swap3A_839 = vector.shape_cast %swap3A_838 : vector<1x16xf32> to vector<16xf32>
      %swap3A_840 = vector.shape_cast %mul3A_834 : vector<16xf32> to vector<1x16xf32>
      tpu.vector_store %arg6[%swap3A_836, %swap3A_837], %swap3A_840 {strides = array<i32>} : memref<8x128xf32, #tpu.memory_space<vmem>>, vector<1x16xf32>,
      %get3A_841 = arith.constant 6 : i32
      %get3A_842 = arith.index_cast %get3A_841 : i32 to index
      %get3A_843 = arith.constant 16 : index
      %get3A_844 = tpu.vector_load %arg6[%get3A_842, %get3A_843] {strides = array<i32>} : memref<8x128xf32, #tpu.memory_space<vmem>>, vector<1x16xf32>,
      %get3A_845 = vector.shape_cast %get3A_844 : vector<1x16xf32> to vector<16xf32>
      %mul3A_846 = arith.constant 0.10599979 : f32
      %mul3A_847 = vector.broadcast %mul3A_846 : f32 to vector<16xf32>
      %mul3A_848 = arith.mulf %get3A_845, %mul3A_847 : vector<16xf32>
      %swap3A_849 = arith.constant 6 : i32
      %swap3A_850 = arith.index_cast %swap3A_849 : i32 to index
      %swap3A_851 = arith.constant 16 : index
      %swap3A_852 = tpu.vector_load %arg6[%swap3A_850, %swap3A_851] {strides = array<i32>} : memref<8x128xf32, #tpu.memory_space<vmem>>, vector<1x16xf32>,
      %swap3A_853 = vector.shape_cast %swap3A_852 : vector<1x16xf32> to vector<16xf32>
      %swap3A_854 = vector.shape_cast %mul3A_848 : vector<16xf32> to vector<1x16xf32>
      tpu.vector_store %arg6[%swap3A_850, %swap3A_851], %swap3A_854 {strides = array<i32>} : memref<8x128xf32, #tpu.memory_space<vmem>>, vector<1x16xf32>,
      %get3A_855 = arith.constant 6 : i32
      %get3A_856 = arith.index_cast %get3A_855 : i32 to index
      %get3A_857 = arith.constant 32 : index
      %get3A_858 = tpu.vector_load %arg6[%get3A_856, %get3A_857] {strides = array<i32>} : memref<8x128xf32, #tpu.memory_space<vmem>>, vector<1x16xf32>,
      %get3A_859 = vector.shape_cast %get3A_858 : vector<1x16xf32> to vector<16xf32>
      %mul3A_860 = arith.constant 0.10599979 : f32
      %mul3A_861 = vector.broadcast %mul3A_860 : f32 to vector<16xf32>
      %mul3A_862 = arith.mulf %get3A_859, %mul3A_861 : vector<16xf32>
      %swap3A_863 = arith.constant 6 : i32
      %swap3A_864 = arith.index_cast %swap3A_863 : i32 to index
      %swap3A_865 = arith.constant 32 : index
      %swap3A_866 = tpu.vector_load %arg6[%swap3A_864, %swap3A_865] {strides = array<i32>} : memref<8x128xf32, #tpu.memory_space<vmem>>, vector<1x16xf32>,
      %swap3A_867 = vector.shape_cast %swap3A_866 : vector<1x16xf32> to vector<16xf32>
      %swap3A_868 = vector.shape_cast %mul3A_862 : vector<16xf32> to vector<1x16xf32>
      tpu.vector_store %arg6[%swap3A_864, %swap3A_865], %swap3A_868 {strides = array<i32>} : memref<8x128xf32, #tpu.memory_space<vmem>>, vector<1x16xf32>,
      %get3A_869 = arith.constant 6 : i32
      %get3A_870 = arith.index_cast %get3A_869 : i32 to index
      %get3A_871 = arith.constant 48 : index
      %get3A_872 = tpu.vector_load %arg6[%get3A_870, %get3A_871] {strides = array<i32>} : memref<8x128xf32, #tpu.memory_space<vmem>>, vector<1x16xf32>,
      %get3A_873 = vector.shape_cast %get3A_872 : vector<1x16xf32> to vector<16xf32>
      %mul3A_874 = arith.constant 0.10599979 : f32
      %mul3A_875 = vector.broadcast %mul3A_874 : f32 to vector<16xf32>
      %mul3A_876 = arith.mulf %get3A_873, %mul3A_875 : vector<16xf32>
      %swap3A_877 = arith.constant 6 : i32
      %swap3A_878 = arith.index_cast %swap3A_877 : i32 to index
      %swap3A_879 = arith.constant 48 : index
      %swap3A_880 = tpu.vector_load %arg6[%swap3A_878, %swap3A_879] {strides = array<i32>} : memref<8x128xf32, #tpu.memory_space<vmem>>, vector<1x16xf32>,
      %swap3A_881 = vector.shape_cast %swap3A_880 : vector<1x16xf32> to vector<16xf32>
      %swap3A_882 = vector.shape_cast %mul3A_876 : vector<16xf32> to vector<1x16xf32>
      tpu.vector_store %arg6[%swap3A_878, %swap3A_879], %swap3A_882 {strides = array<i32>} : memref<8x128xf32, #tpu.memory_space<vmem>>, vector<1x16xf32>,
      %get3A_883 = arith.constant 6 : i32
      %get3A_884 = arith.index_cast %get3A_883 : i32 to index
      %get3A_885 = arith.constant 64 : index
      %get3A_886 = tpu.vector_load %arg6[%get3A_884, %get3A_885] {strides = array<i32>} : memref<8x128xf32, #tpu.memory_space<vmem>>, vector<1x16xf32>,
      %get3A_887 = vector.shape_cast %get3A_886 : vector<1x16xf32> to vector<16xf32>
      %mul3A_888 = arith.constant 0.10599979 : f32
      %mul3A_889 = vector.broadcast %mul3A_888 : f32 to vector<16xf32>
      %mul3A_890 = arith.mulf %get3A_887, %mul3A_889 : vector<16xf32>
      %swap3A_891 = arith.constant 6 : i32
      %swap3A_892 = arith.index_cast %swap3A_891 : i32 to index
      %swap3A_893 = arith.constant 64 : index
      %swap3A_894 = tpu.vector_load %arg6[%swap3A_892, %swap3A_893] {strides = array<i32>} : memref<8x128xf32, #tpu.memory_space<vmem>>, vector<1x16xf32>,
      %swap3A_895 = vector.shape_cast %swap3A_894 : vector<1x16xf32> to vector<16xf32>
      %swap3A_896 = vector.shape_cast %mul3A_890 : vector<16xf32> to vector<1x16xf32>
      tpu.vector_store %arg6[%swap3A_892, %swap3A_893], %swap3A_896 {strides = array<i32>} : memref<8x128xf32, #tpu.memory_space<vmem>>, vector<1x16xf32>,
      %get3A_897 = arith.constant 6 : i32
      %get3A_898 = arith.index_cast %get3A_897 : i32 to index
      %get3A_899 = arith.constant 80 : index
      %get3A_900 = tpu.vector_load %arg6[%get3A_898, %get3A_899] {strides = array<i32>} : memref<8x128xf32, #tpu.memory_space<vmem>>, vector<1x16xf32>,
      %get3A_901 = vector.shape_cast %get3A_900 : vector<1x16xf32> to vector<16xf32>
      %mul3A_902 = arith.constant 0.10599979 : f32
      %mul3A_903 = vector.broadcast %mul3A_902 : f32 to vector<16xf32>
      %mul3A_904 = arith.mulf %get3A_901, %mul3A_903 : vector<16xf32>
      %swap3A_905 = arith.constant 6 : i32
      %swap3A_906 = arith.index_cast %swap3A_905 : i32 to index
      %swap3A_907 = arith.constant 80 : index
      %swap3A_908 = tpu.vector_load %arg6[%swap3A_906, %swap3A_907] {strides = array<i32>} : memref<8x128xf32, #tpu.memory_space<vmem>>, vector<1x16xf32>,
      %swap3A_909 = vector.shape_cast %swap3A_908 : vector<1x16xf32> to vector<16xf32>
      %swap3A_910 = vector.shape_cast %mul3A_904 : vector<16xf32> to vector<1x16xf32>
      tpu.vector_store %arg6[%swap3A_906, %swap3A_907], %swap3A_910 {strides = array<i32>} : memref<8x128xf32, #tpu.memory_space<vmem>>, vector<1x16xf32>,
      %get3A_911 = arith.constant 6 : i32
      %get3A_912 = arith.index_cast %get3A_911 : i32 to index
      %get3A_913 = arith.constant 96 : index
      %get3A_914 = tpu.vector_load %arg6[%get3A_912, %get3A_913] {strides = array<i32>} : memref<8x128xf32, #tpu.memory_space<vmem>>, vector<1x16xf32>,
      %get3A_915 = vector.shape_cast %get3A_914 : vector<1x16xf32> to vector<16xf32>
      %mul3A_916 = arith.constant 0.10599979 : f32
      %mul3A_917 = vector.broadcast %mul3A_916 : f32 to vector<16xf32>
      %mul3A_918 = arith.mulf %get3A_915, %mul3A_917 : vector<16xf32>
      %swap3A_919 = arith.constant 6 : i32
      %swap3A_920 = arith.index_cast %swap3A_919 : i32 to index
      %swap3A_921 = arith.constant 96 : index
      %swap3A_922 = tpu.vector_load %arg6[%swap3A_920, %swap3A_921] {strides = array<i32>} : memref<8x128xf32, #tpu.memory_space<vmem>>, vector<1x16xf32>,
      %swap3A_923 = vector.shape_cast %swap3A_922 : vector<1x16xf32> to vector<16xf32>
      %swap3A_924 = vector.shape_cast %mul3A_918 : vector<16xf32> to vector<1x16xf32>
      tpu.vector_store %arg6[%swap3A_920, %swap3A_921], %swap3A_924 {strides = array<i32>} : memref<8x128xf32, #tpu.memory_space<vmem>>, vector<1x16xf32>,
      %get3A_925 = arith.constant 6 : i32
      %get3A_926 = arith.index_cast %get3A_925 : i32 to index
      %get3A_927 = arith.constant 112 : index
      %get3A_928 = tpu.vector_load %arg6[%get3A_926, %get3A_927] {strides = array<i32>} : memref<8x128xf32, #tpu.memory_space<vmem>>, vector<1x16xf32>,
      %get3A_929 = vector.shape_cast %get3A_928 : vector<1x16xf32> to vector<16xf32>
      %mul3A_930 = arith.constant 0.10599979 : f32
      %mul3A_931 = vector.broadcast %mul3A_930 : f32 to vector<16xf32>
      %mul3A_932 = arith.mulf %get3A_929, %mul3A_931 : vector<16xf32>
      %swap3A_933 = arith.constant 6 : i32
      %swap3A_934 = arith.index_cast %swap3A_933 : i32 to index
      %swap3A_935 = arith.constant 112 : index
      %swap3A_936 = tpu.vector_load %arg6[%swap3A_934, %swap3A_935] {strides = array<i32>} : memref<8x128xf32, #tpu.memory_space<vmem>>, vector<1x16xf32>,
      %swap3A_937 = vector.shape_cast %swap3A_936 : vector<1x16xf32> to vector<16xf32>
      %swap3A_938 = vector.shape_cast %mul3A_932 : vector<16xf32> to vector<1x16xf32>
      tpu.vector_store %arg6[%swap3A_934, %swap3A_935], %swap3A_938 {strides = array<i32>} : memref<8x128xf32, #tpu.memory_space<vmem>>, vector<1x16xf32>,
      %get3A_939 = arith.constant 7 : i32
      %get3A_940 = arith.index_cast %get3A_939 : i32 to index
      %get3A_941 = arith.constant 0 : index
      %get3A_942 = tpu.vector_load %arg6[%get3A_940, %get3A_941] {strides = array<i32>} : memref<8x128xf32, #tpu.memory_space<vmem>>, vector<1x16xf32>,
      %get3A_943 = vector.shape_cast %get3A_942 : vector<1x16xf32> to vector<16xf32>
      %mul3A_944 = arith.constant 0.10599979 : f32
      %mul3A_945 = vector.broadcast %mul3A_944 : f32 to vector<16xf32>
      %mul3A_946 = arith.mulf %get3A_943, %mul3A_945 : vector<16xf32>
      %swap3A_947 = arith.constant 7 : i32
      %swap3A_948 = arith.index_cast %swap3A_947 : i32 to index
      %swap3A_949 = arith.constant 0 : index
      %swap3A_950 = tpu.vector_load %arg6[%swap3A_948, %swap3A_949] {strides = array<i32>} : memref<8x128xf32, #tpu.memory_space<vmem>>, vector<1x16xf32>,
      %swap3A_951 = vector.shape_cast %swap3A_950 : vector<1x16xf32> to vector<16xf32>
      %swap3A_952 = vector.shape_cast %mul3A_946 : vector<16xf32> to vector<1x16xf32>
      tpu.vector_store %arg6[%swap3A_948, %swap3A_949], %swap3A_952 {strides = array<i32>} : memref<8x128xf32, #tpu.memory_space<vmem>>, vector<1x16xf32>,
      %get3A_953 = arith.constant 7 : i32
      %get3A_954 = arith.index_cast %get3A_953 : i32 to index
      %get3A_955 = arith.constant 16 : index
      %get3A_956 = tpu.vector_load %arg6[%get3A_954, %get3A_955] {strides = array<i32>} : memref<8x128xf32, #tpu.memory_space<vmem>>, vector<1x16xf32>,
      %get3A_957 = vector.shape_cast %get3A_956 : vector<1x16xf32> to vector<16xf32>
      %mul3A_958 = arith.constant 0.10599979 : f32
      %mul3A_959 = vector.broadcast %mul3A_958 : f32 to vector<16xf32>
      %mul3A_960 = arith.mulf %get3A_957, %mul3A_959 : vector<16xf32>
      %swap3A_961 = arith.constant 7 : i32
      %swap3A_962 = arith.index_cast %swap3A_961 : i32 to index
      %swap3A_963 = arith.constant 16 : index
      %swap3A_964 = tpu.vector_load %arg6[%swap3A_962, %swap3A_963] {strides = array<i32>} : memref<8x128xf32, #tpu.memory_space<vmem>>, vector<1x16xf32>,
      %swap3A_965 = vector.shape_cast %swap3A_964 : vector<1x16xf32> to vector<16xf32>
      %swap3A_966 = vector.shape_cast %mul3A_960 : vector<16xf32> to vector<1x16xf32>
      tpu.vector_store %arg6[%swap3A_962, %swap3A_963], %swap3A_966 {strides = array<i32>} : memref<8x128xf32, #tpu.memory_space<vmem>>, vector<1x16xf32>,
      %get3A_967 = arith.constant 7 : i32
      %get3A_968 = arith.index_cast %get3A_967 : i32 to index
      %get3A_969 = arith.constant 32 : index
      %get3A_970 = tpu.vector_load %arg6[%get3A_968, %get3A_969] {strides = array<i32>} : memref<8x128xf32, #tpu.memory_space<vmem>>, vector<1x16xf32>,
      %get3A_971 = vector.shape_cast %get3A_970 : vector<1x16xf32> to vector<16xf32>
      %mul3A_972 = arith.constant 0.10599979 : f32
      %mul3A_973 = vector.broadcast %mul3A_972 : f32 to vector<16xf32>
      %mul3A_974 = arith.mulf %get3A_971, %mul3A_973 : vector<16xf32>
      %swap3A_975 = arith.constant 7 : i32
      %swap3A_976 = arith.index_cast %swap3A_975 : i32 to index
      %swap3A_977 = arith.constant 32 : index
      %swap3A_978 = tpu.vector_load %arg6[%swap3A_976, %swap3A_977] {strides = array<i32>} : memref<8x128xf32, #tpu.memory_space<vmem>>, vector<1x16xf32>,
      %swap3A_979 = vector.shape_cast %swap3A_978 : vector<1x16xf32> to vector<16xf32>
      %swap3A_980 = vector.shape_cast %mul3A_974 : vector<16xf32> to vector<1x16xf32>
      tpu.vector_store %arg6[%swap3A_976, %swap3A_977], %swap3A_980 {strides = array<i32>} : memref<8x128xf32, #tpu.memory_space<vmem>>, vector<1x16xf32>,
      %get3A_981 = arith.constant 7 : i32
      %get3A_982 = arith.index_cast %get3A_981 : i32 to index
      %get3A_983 = arith.constant 48 : index
      %get3A_984 = tpu.vector_load %arg6[%get3A_982, %get3A_983] {strides = array<i32>} : memref<8x128xf32, #tpu.memory_space<vmem>>, vector<1x16xf32>,
      %get3A_985 = vector.shape_cast %get3A_984 : vector<1x16xf32> to vector<16xf32>
      %mul3A_986 = arith.constant 0.10599979 : f32
      %mul3A_987 = vector.broadcast %mul3A_986 : f32 to vector<16xf32>
      %mul3A_988 = arith.mulf %get3A_985, %mul3A_987 : vector<16xf32>
      %swap3A_989 = arith.constant 7 : i32
      %swap3A_990 = arith.index_cast %swap3A_989 : i32 to index
      %swap3A_991 = arith.constant 48 : index
      %swap3A_992 = tpu.vector_load %arg6[%swap3A_990, %swap3A_991] {strides = array<i32>} : memref<8x128xf32, #tpu.memory_space<vmem>>, vector<1x16xf32>,
      %swap3A_993 = vector.shape_cast %swap3A_992 : vector<1x16xf32> to vector<16xf32>
      %swap3A_994 = vector.shape_cast %mul3A_988 : vector<16xf32> to vector<1x16xf32>
      tpu.vector_store %arg6[%swap3A_990, %swap3A_991], %swap3A_994 {strides = array<i32>} : memref<8x128xf32, #tpu.memory_space<vmem>>, vector<1x16xf32>,
      %get3A_995 = arith.constant 7 : i32
      %get3A_996 = arith.index_cast %get3A_995 : i32 to index
      %get3A_997 = arith.constant 64 : index
      %get3A_998 = tpu.vector_load %arg6[%get3A_996, %get3A_997] {strides = array<i32>} : memref<8x128xf32, #tpu.memory_space<vmem>>, vector<1x16xf32>,
      %get3A_999 = vector.shape_cast %get3A_998 : vector<1x16xf32> to vector<16xf32>
      %mul3A_1000 = arith.constant 0.10599979 : f32
      %mul3A_1001 = vector.broadcast %mul3A_1000 : f32 to vector<16xf32>
      %mul3A_1002 = arith.mulf %get3A_999, %mul3A_1001 : vector<16xf32>
      %swap3A_1003 = arith.constant 7 : i32
      %swap3A_1004 = arith.index_cast %swap3A_1003 : i32 to index
      %swap3A_1005 = arith.constant 64 : index
      %swap3A_1006 = tpu.vector_load %arg6[%swap3A_1004, %swap3A_1005] {strides = array<i32>} : memref<8x128xf32, #tpu.memory_space<vmem>>, vector<1x16xf32>,
      %swap3A_1007 = vector.shape_cast %swap3A_1006 : vector<1x16xf32> to vector<16xf32>
      %swap3A_1008 = vector.shape_cast %mul3A_1002 : vector<16xf32> to vector<1x16xf32>
      tpu.vector_store %arg6[%swap3A_1004, %swap3A_1005], %swap3A_1008 {strides = array<i32>} : memref<8x128xf32, #tpu.memory_space<vmem>>, vector<1x16xf32>,
      %get3A_1009 = arith.constant 7 : i32
      %get3A_1010 = arith.index_cast %get3A_1009 : i32 to index
      %get3A_1011 = arith.constant 80 : index
      %get3A_1012 = tpu.vector_load %arg6[%get3A_1010, %get3A_1011] {strides = array<i32>} : memref<8x128xf32, #tpu.memory_space<vmem>>, vector<1x16xf32>,
      %get3A_1013 = vector.shape_cast %get3A_1012 : vector<1x16xf32> to vector<16xf32>
      %mul3A_1014 = arith.constant 0.10599979 : f32
      %mul3A_1015 = vector.broadcast %mul3A_1014 : f32 to vector<16xf32>
      %mul3A_1016 = arith.mulf %get3A_1013, %mul3A_1015 : vector<16xf32>
      %swap3A_1017 = arith.constant 7 : i32
      %swap3A_1018 = arith.index_cast %swap3A_1017 : i32 to index
      %swap3A_1019 = arith.constant 80 : index
      %swap3A_1020 = tpu.vector_load %arg6[%swap3A_1018, %swap3A_1019] {strides = array<i32>} : memref<8x128xf32, #tpu.memory_space<vmem>>, vector<1x16xf32>,
      %swap3A_1021 = vector.shape_cast %swap3A_1020 : vector<1x16xf32> to vector<16xf32>
      %swap3A_1022 = vector.shape_cast %mul3A_1016 : vector<16xf32> to vector<1x16xf32>
      tpu.vector_store %arg6[%swap3A_1018, %swap3A_1019], %swap3A_1022 {strides = array<i32>} : memref<8x128xf32, #tpu.memory_space<vmem>>, vector<1x16xf32>,
      %get3A_1023 = arith.constant 7 : i32
      %get3A_1024 = arith.index_cast %get3A_1023 : i32 to index
      %get3A_1025 = arith.constant 96 : index
      %get3A_1026 = tpu.vector_load %arg6[%get3A_1024, %get3A_1025] {strides = array<i32>} : memref<8x128xf32, #tpu.memory_space<vmem>>, vector<1x16xf32>,
      %get3A_1027 = vector.shape_cast %get3A_1026 : vector<1x16xf32> to vector<16xf32>
      %mul3A_1028 = arith.constant 0.10599979 : f32
      %mul3A_1029 = vector.broadcast %mul3A_1028 : f32 to vector<16xf32>
      %mul3A_1030 = arith.mulf %get3A_1027, %mul3A_1029 : vector<16xf32>
      %swap3A_1031 = arith.constant 7 : i32
      %swap3A_1032 = arith.index_cast %swap3A_1031 : i32 to index
      %swap3A_1033 = arith.constant 96 : index
      %swap3A_1034 = tpu.vector_load %arg6[%swap3A_1032, %swap3A_1033] {strides = array<i32>} : memref<8x128xf32, #tpu.memory_space<vmem>>, vector<1x16xf32>,
      %swap3A_1035 = vector.shape_cast %swap3A_1034 : vector<1x16xf32> to vector<16xf32>
      %swap3A_1036 = vector.shape_cast %mul3A_1030 : vector<16xf32> to vector<1x16xf32>
      tpu.vector_store %arg6[%swap3A_1032, %swap3A_1033], %swap3A_1036 {strides = array<i32>} : memref<8x128xf32, #tpu.memory_space<vmem>>, vector<1x16xf32>,
      %get3A_1037 = arith.constant 7 : i32
      %get3A_1038 = arith.index_cast %get3A_1037 : i32 to index
      %get3A_1039 = arith.constant 112 : index
      %get3A_1040 = tpu.vector_load %arg6[%get3A_1038, %get3A_1039] {strides = array<i32>} : memref<8x128xf32, #tpu.memory_space<vmem>>, vector<1x16xf32>,
      %get3A_1041 = vector.shape_cast %get3A_1040 : vector<1x16xf32> to vector<16xf32>
      %mul3A_1042 = arith.constant 0.10599979 : f32
      %mul3A_1043 = vector.broadcast %mul3A_1042 : f32 to vector<16xf32>
      %mul3A_1044 = arith.mulf %get3A_1041, %mul3A_1043 : vector<16xf32>
      %swap3A_1045 = arith.constant 7 : i32
      %swap3A_1046 = arith.index_cast %swap3A_1045 : i32 to index
      %swap3A_1047 = arith.constant 112 : index
      %swap3A_1048 = tpu.vector_load %arg6[%swap3A_1046, %swap3A_1047] {strides = array<i32>} : memref<8x128xf32, #tpu.memory_space<vmem>>, vector<1x16xf32>,
      %swap3A_1049 = vector.shape_cast %swap3A_1048 : vector<1x16xf32> to vector<16xf32>
      %swap3A_1050 = vector.shape_cast %mul3A_1044 : vector<16xf32> to vector<1x16xf32>
      tpu.vector_store %arg6[%swap3A_1046, %swap3A_1047], %swap3A_1050 {strides = array<i32>} : memref<8x128xf32, #tpu.memory_space<vmem>>, vector<1x16xf32>,
      "tpu.region"() ({
        %run_scoped3A = tpu.sem_alloc : memref<!tpu.dma_semaphore, #tpu.memory_space<semaphore_mem>>
        %dma_start3A_1051 = arith.constant 0 : i32
        %dma_start3A_1052 = tpu.memref_slice %arg7[%mul3A_156, %dma_start3A_1051] : memref<89x128xf32, #tpu.memory_space<vmem_shared>> -> memref<8x128xf32, #tpu.memory_space<vmem_shared>>
        %dma_start3A_1053 = arith.constant 0 : i32
        %dma_start3A_1054 = tpu.memref_slice %arg7[%mul3A_156, %dma_start3A_1053] : memref<89x128xf32, #tpu.memory_space<vmem_shared>> -> memref<8x128xf32, #tpu.memory_space<vmem_shared>>
        tpu.enqueue_dma source(%arg6 : memref<8x128xf32, #tpu.memory_space<vmem>>) target(%dma_start3A_1054 : memref<8x128xf32, #tpu.memory_space<vmem_shared>>) target_semaphore(%run_scoped3A : memref<!tpu.dma_semaphore, #tpu.memory_space<semaphore_mem>>)
        %dma_wait3A = arith.constant 0 : i32
        %dma_wait3A_1055 = tpu.memref_slice %arg7[%mul3A_156, %dma_wait3A] : memref<89x128xf32, #tpu.memory_space<vmem_shared>> -> memref<8x128xf32, #tpu.memory_space<vmem_shared>>
        %dma_wait3A_1056 = arith.constant 0 : i32
        %dma_wait3A_1057 = tpu.memref_slice %arg7[%mul3A_156, %dma_wait3A_1056] : memref<89x128xf32, #tpu.memory_space<vmem_shared>> -> memref<8x128xf32, #tpu.memory_space<vmem_shared>>
        tpu.wait_dma2 semaphore(%run_scoped3A : memref<!tpu.dma_semaphore, #tpu.memory_space<semaphore_mem>>) src(%arg6 : memref<8x128xf32, #tpu.memory_space<vmem>>) dst(%dma_wait3A_1057 : memref<8x128xf32, #tpu.memory_space<vmem_shared>>)
        tpu.yield
      }) : () -> ()
    } else {
    }
    %eq3A_14 = arith.constant 11 : i32
    %eq3A_15 = arith.cmpi eq, %arg1, %eq3A_14 : i32
    %convert_element_type3A_16 = arith.extui %eq3A_15 : i1 to i32
    %cond3A_17 = arith.constant 0 : i32
    %cond3A_18 = arith.cmpi ne, %convert_element_type3A_16, %cond3A_17 : i32
    scf.if %cond3A_18 {
      "tpu.region"() ({
        %run_scoped3A = tpu.sem_alloc : memref<!tpu.dma_semaphore, #tpu.memory_space<semaphore_mem>>
        %dma_start3A_265 = arith.constant 0 : i32
        %dma_start3A_266 = arith.constant 0 : i32
        %dma_start3A_267 = tpu.memref_slice %arg6[%dma_start3A_265, %dma_start3A_266] : memref<8x128xf32, #tpu.memory_space<vmem>> -> memref<1x128xf32, #tpu.memory_space<vmem>>
        %dma_start3A_268 = arith.constant 88 : i32
        %dma_start3A_269 = arith.constant 0 : i32
        %dma_start3A_270 = tpu.memref_slice %arg3[%dma_start3A_268, %dma_start3A_269] : memref<89x128xf32, #tpu.memory_space<hbm>> -> memref<1x128xf32, #tpu.memory_space<hbm>>
        %dma_start3A_271 = arith.constant 0 : i32
        %dma_start3A_272 = arith.constant 0 : i32
        %dma_start3A_273 = tpu.memref_slice %arg6[%dma_start3A_271, %dma_start3A_272] : memref<8x128xf32, #tpu.memory_space<vmem>> -> memref<1x128xf32, #tpu.memory_space<vmem>>
        %dma_start3A_274 = arith.constant 88 : i32
        %dma_start3A_275 = arith.constant 0 : i32
        %dma_start3A_276 = tpu.memref_slice %arg3[%dma_start3A_274, %dma_start3A_275] : memref<89x128xf32, #tpu.memory_space<hbm>> -> memref<1x128xf32, #tpu.memory_space<hbm>>
        tpu.enqueue_dma source(%dma_start3A_276 : memref<1x128xf32, #tpu.memory_space<hbm>>) target(%dma_start3A_273 : memref<1x128xf32, #tpu.memory_space<vmem>>) target_semaphore(%run_scoped3A : memref<!tpu.dma_semaphore, #tpu.memory_space<semaphore_mem>>)
        %dma_wait3A = arith.constant 0 : i32
        %dma_wait3A_277 = arith.constant 0 : i32
        %dma_wait3A_278 = tpu.memref_slice %arg6[%dma_wait3A, %dma_wait3A_277] : memref<8x128xf32, #tpu.memory_space<vmem>> -> memref<1x128xf32, #tpu.memory_space<vmem>>
        %dma_wait3A_279 = arith.constant 88 : i32
        %dma_wait3A_280 = arith.constant 0 : i32
        %dma_wait3A_281 = tpu.memref_slice %arg3[%dma_wait3A_279, %dma_wait3A_280] : memref<89x128xf32, #tpu.memory_space<hbm>> -> memref<1x128xf32, #tpu.memory_space<hbm>>
        %dma_wait3A_282 = arith.constant 0 : i32
        %dma_wait3A_283 = arith.constant 0 : i32
        %dma_wait3A_284 = tpu.memref_slice %arg6[%dma_wait3A_282, %dma_wait3A_283] : memref<8x128xf32, #tpu.memory_space<vmem>> -> memref<1x128xf32, #tpu.memory_space<vmem>>
        %dma_wait3A_285 = arith.constant 88 : i32
        %dma_wait3A_286 = arith.constant 0 : i32
        %dma_wait3A_287 = tpu.memref_slice %arg3[%dma_wait3A_285, %dma_wait3A_286] : memref<89x128xf32, #tpu.memory_space<hbm>> -> memref<1x128xf32, #tpu.memory_space<hbm>>
        tpu.wait_dma2 semaphore(%run_scoped3A : memref<!tpu.dma_semaphore, #tpu.memory_space<semaphore_mem>>) src(%dma_wait3A_287 : memref<1x128xf32, #tpu.memory_space<hbm>>) dst(%dma_wait3A_284 : memref<1x128xf32, #tpu.memory_space<vmem>>)
        tpu.yield
      }) : () -> ()
      %get3A = arith.constant 0 : i32
      %get3A_155 = arith.index_cast %get3A : i32 to index
      %get3A_156 = arith.constant 0 : index
      %get3A_157 = tpu.vector_load %arg6[%get3A_155, %get3A_156] {strides = array<i32>} : memref<8x128xf32, #tpu.memory_space<vmem>>, vector<1x16xf32>,
      %get3A_158 = vector.shape_cast %get3A_157 : vector<1x16xf32> to vector<16xf32>
      %mul3A_159 = arith.constant 0.10599979 : f32
      %mul3A_160 = vector.broadcast %mul3A_159 : f32 to vector<16xf32>
      %mul3A_161 = arith.mulf %get3A_158, %mul3A_160 : vector<16xf32>
      %swap3A = arith.constant 0 : i32
      %swap3A_162 = arith.index_cast %swap3A : i32 to index
      %swap3A_163 = arith.constant 0 : index
      %swap3A_164 = tpu.vector_load %arg6[%swap3A_162, %swap3A_163] {strides = array<i32>} : memref<8x128xf32, #tpu.memory_space<vmem>>, vector<1x16xf32>,
      %swap3A_165 = vector.shape_cast %swap3A_164 : vector<1x16xf32> to vector<16xf32>
      %swap3A_166 = vector.shape_cast %mul3A_161 : vector<16xf32> to vector<1x16xf32>
      tpu.vector_store %arg6[%swap3A_162, %swap3A_163], %swap3A_166 {strides = array<i32>} : memref<8x128xf32, #tpu.memory_space<vmem>>, vector<1x16xf32>,
      %get3A_167 = arith.constant 0 : i32
      %get3A_168 = arith.index_cast %get3A_167 : i32 to index
      %get3A_169 = arith.constant 16 : index
      %get3A_170 = tpu.vector_load %arg6[%get3A_168, %get3A_169] {strides = array<i32>} : memref<8x128xf32, #tpu.memory_space<vmem>>, vector<1x16xf32>,
      %get3A_171 = vector.shape_cast %get3A_170 : vector<1x16xf32> to vector<16xf32>
      %mul3A_172 = arith.constant 0.10599979 : f32
      %mul3A_173 = vector.broadcast %mul3A_172 : f32 to vector<16xf32>
      %mul3A_174 = arith.mulf %get3A_171, %mul3A_173 : vector<16xf32>
      %swap3A_175 = arith.constant 0 : i32
      %swap3A_176 = arith.index_cast %swap3A_175 : i32 to index
      %swap3A_177 = arith.constant 16 : index
      %swap3A_178 = tpu.vector_load %arg6[%swap3A_176, %swap3A_177] {strides = array<i32>} : memref<8x128xf32, #tpu.memory_space<vmem>>, vector<1x16xf32>,
      %swap3A_179 = vector.shape_cast %swap3A_178 : vector<1x16xf32> to vector<16xf32>
      %swap3A_180 = vector.shape_cast %mul3A_174 : vector<16xf32> to vector<1x16xf32>
      tpu.vector_store %arg6[%swap3A_176, %swap3A_177], %swap3A_180 {strides = array<i32>} : memref<8x128xf32, #tpu.memory_space<vmem>>, vector<1x16xf32>,
      %get3A_181 = arith.constant 0 : i32
      %get3A_182 = arith.index_cast %get3A_181 : i32 to index
      %get3A_183 = arith.constant 32 : index
      %get3A_184 = tpu.vector_load %arg6[%get3A_182, %get3A_183] {strides = array<i32>} : memref<8x128xf32, #tpu.memory_space<vmem>>, vector<1x16xf32>,
      %get3A_185 = vector.shape_cast %get3A_184 : vector<1x16xf32> to vector<16xf32>
      %mul3A_186 = arith.constant 0.10599979 : f32
      %mul3A_187 = vector.broadcast %mul3A_186 : f32 to vector<16xf32>
      %mul3A_188 = arith.mulf %get3A_185, %mul3A_187 : vector<16xf32>
      %swap3A_189 = arith.constant 0 : i32
      %swap3A_190 = arith.index_cast %swap3A_189 : i32 to index
      %swap3A_191 = arith.constant 32 : index
      %swap3A_192 = tpu.vector_load %arg6[%swap3A_190, %swap3A_191] {strides = array<i32>} : memref<8x128xf32, #tpu.memory_space<vmem>>, vector<1x16xf32>,
      %swap3A_193 = vector.shape_cast %swap3A_192 : vector<1x16xf32> to vector<16xf32>
      %swap3A_194 = vector.shape_cast %mul3A_188 : vector<16xf32> to vector<1x16xf32>
      tpu.vector_store %arg6[%swap3A_190, %swap3A_191], %swap3A_194 {strides = array<i32>} : memref<8x128xf32, #tpu.memory_space<vmem>>, vector<1x16xf32>,
      %get3A_195 = arith.constant 0 : i32
      %get3A_196 = arith.index_cast %get3A_195 : i32 to index
      %get3A_197 = arith.constant 48 : index
      %get3A_198 = tpu.vector_load %arg6[%get3A_196, %get3A_197] {strides = array<i32>} : memref<8x128xf32, #tpu.memory_space<vmem>>, vector<1x16xf32>,
      %get3A_199 = vector.shape_cast %get3A_198 : vector<1x16xf32> to vector<16xf32>
      %mul3A_200 = arith.constant 0.10599979 : f32
      %mul3A_201 = vector.broadcast %mul3A_200 : f32 to vector<16xf32>
      %mul3A_202 = arith.mulf %get3A_199, %mul3A_201 : vector<16xf32>
      %swap3A_203 = arith.constant 0 : i32
      %swap3A_204 = arith.index_cast %swap3A_203 : i32 to index
      %swap3A_205 = arith.constant 48 : index
      %swap3A_206 = tpu.vector_load %arg6[%swap3A_204, %swap3A_205] {strides = array<i32>} : memref<8x128xf32, #tpu.memory_space<vmem>>, vector<1x16xf32>,
      %swap3A_207 = vector.shape_cast %swap3A_206 : vector<1x16xf32> to vector<16xf32>
      %swap3A_208 = vector.shape_cast %mul3A_202 : vector<16xf32> to vector<1x16xf32>
      tpu.vector_store %arg6[%swap3A_204, %swap3A_205], %swap3A_208 {strides = array<i32>} : memref<8x128xf32, #tpu.memory_space<vmem>>, vector<1x16xf32>,
      %get3A_209 = arith.constant 0 : i32
      %get3A_210 = arith.index_cast %get3A_209 : i32 to index
      %get3A_211 = arith.constant 64 : index
      %get3A_212 = tpu.vector_load %arg6[%get3A_210, %get3A_211] {strides = array<i32>} : memref<8x128xf32, #tpu.memory_space<vmem>>, vector<1x16xf32>,
      %get3A_213 = vector.shape_cast %get3A_212 : vector<1x16xf32> to vector<16xf32>
      %mul3A_214 = arith.constant 0.10599979 : f32
      %mul3A_215 = vector.broadcast %mul3A_214 : f32 to vector<16xf32>
      %mul3A_216 = arith.mulf %get3A_213, %mul3A_215 : vector<16xf32>
      %swap3A_217 = arith.constant 0 : i32
      %swap3A_218 = arith.index_cast %swap3A_217 : i32 to index
      %swap3A_219 = arith.constant 64 : index
      %swap3A_220 = tpu.vector_load %arg6[%swap3A_218, %swap3A_219] {strides = array<i32>} : memref<8x128xf32, #tpu.memory_space<vmem>>, vector<1x16xf32>,
      %swap3A_221 = vector.shape_cast %swap3A_220 : vector<1x16xf32> to vector<16xf32>
      %swap3A_222 = vector.shape_cast %mul3A_216 : vector<16xf32> to vector<1x16xf32>
      tpu.vector_store %arg6[%swap3A_218, %swap3A_219], %swap3A_222 {strides = array<i32>} : memref<8x128xf32, #tpu.memory_space<vmem>>, vector<1x16xf32>,
      %get3A_223 = arith.constant 0 : i32
      %get3A_224 = arith.index_cast %get3A_223 : i32 to index
      %get3A_225 = arith.constant 80 : index
      %get3A_226 = tpu.vector_load %arg6[%get3A_224, %get3A_225] {strides = array<i32>} : memref<8x128xf32, #tpu.memory_space<vmem>>, vector<1x16xf32>,
      %get3A_227 = vector.shape_cast %get3A_226 : vector<1x16xf32> to vector<16xf32>
      %mul3A_228 = arith.constant 0.10599979 : f32
      %mul3A_229 = vector.broadcast %mul3A_228 : f32 to vector<16xf32>
      %mul3A_230 = arith.mulf %get3A_227, %mul3A_229 : vector<16xf32>
      %swap3A_231 = arith.constant 0 : i32
      %swap3A_232 = arith.index_cast %swap3A_231 : i32 to index
      %swap3A_233 = arith.constant 80 : index
      %swap3A_234 = tpu.vector_load %arg6[%swap3A_232, %swap3A_233] {strides = array<i32>} : memref<8x128xf32, #tpu.memory_space<vmem>>, vector<1x16xf32>,
      %swap3A_235 = vector.shape_cast %swap3A_234 : vector<1x16xf32> to vector<16xf32>
      %swap3A_236 = vector.shape_cast %mul3A_230 : vector<16xf32> to vector<1x16xf32>
      tpu.vector_store %arg6[%swap3A_232, %swap3A_233], %swap3A_236 {strides = array<i32>} : memref<8x128xf32, #tpu.memory_space<vmem>>, vector<1x16xf32>,
      %get3A_237 = arith.constant 0 : i32
      %get3A_238 = arith.index_cast %get3A_237 : i32 to index
      %get3A_239 = arith.constant 96 : index
      %get3A_240 = tpu.vector_load %arg6[%get3A_238, %get3A_239] {strides = array<i32>} : memref<8x128xf32, #tpu.memory_space<vmem>>, vector<1x16xf32>,
      %get3A_241 = vector.shape_cast %get3A_240 : vector<1x16xf32> to vector<16xf32>
      %mul3A_242 = arith.constant 0.10599979 : f32
      %mul3A_243 = vector.broadcast %mul3A_242 : f32 to vector<16xf32>
      %mul3A_244 = arith.mulf %get3A_241, %mul3A_243 : vector<16xf32>
      %swap3A_245 = arith.constant 0 : i32
      %swap3A_246 = arith.index_cast %swap3A_245 : i32 to index
      %swap3A_247 = arith.constant 96 : index
      %swap3A_248 = tpu.vector_load %arg6[%swap3A_246, %swap3A_247] {strides = array<i32>} : memref<8x128xf32, #tpu.memory_space<vmem>>, vector<1x16xf32>,
      %swap3A_249 = vector.shape_cast %swap3A_248 : vector<1x16xf32> to vector<16xf32>
      %swap3A_250 = vector.shape_cast %mul3A_244 : vector<16xf32> to vector<1x16xf32>
      tpu.vector_store %arg6[%swap3A_246, %swap3A_247], %swap3A_250 {strides = array<i32>} : memref<8x128xf32, #tpu.memory_space<vmem>>, vector<1x16xf32>,
      %get3A_251 = arith.constant 0 : i32
      %get3A_252 = arith.index_cast %get3A_251 : i32 to index
      %get3A_253 = arith.constant 112 : index
      %get3A_254 = tpu.vector_load %arg6[%get3A_252, %get3A_253] {strides = array<i32>} : memref<8x128xf32, #tpu.memory_space<vmem>>, vector<1x16xf32>,
      %get3A_255 = vector.shape_cast %get3A_254 : vector<1x16xf32> to vector<16xf32>
      %mul3A_256 = arith.constant 0.10599979 : f32
      %mul3A_257 = vector.broadcast %mul3A_256 : f32 to vector<16xf32>
      %mul3A_258 = arith.mulf %get3A_255, %mul3A_257 : vector<16xf32>
      %swap3A_259 = arith.constant 0 : i32
      %swap3A_260 = arith.index_cast %swap3A_259 : i32 to index
      %swap3A_261 = arith.constant 112 : index
      %swap3A_262 = tpu.vector_load %arg6[%swap3A_260, %swap3A_261] {strides = array<i32>} : memref<8x128xf32, #tpu.memory_space<vmem>>, vector<1x16xf32>,
      %swap3A_263 = vector.shape_cast %swap3A_262 : vector<1x16xf32> to vector<16xf32>
      %swap3A_264 = vector.shape_cast %mul3A_258 : vector<16xf32> to vector<1x16xf32>
      tpu.vector_store %arg6[%swap3A_260, %swap3A_261], %swap3A_264 {strides = array<i32>} : memref<8x128xf32, #tpu.memory_space<vmem>>, vector<1x16xf32>,
      "tpu.region"() ({
        %run_scoped3A = tpu.sem_alloc : memref<!tpu.dma_semaphore, #tpu.memory_space<semaphore_mem>>
        %dma_start3A_265 = arith.constant 0 : i32
        %dma_start3A_266 = arith.constant 0 : i32
        %dma_start3A_267 = tpu.memref_slice %arg6[%dma_start3A_265, %dma_start3A_266] : memref<8x128xf32, #tpu.memory_space<vmem>> -> memref<1x128xf32, #tpu.memory_space<vmem>>
        %dma_start3A_268 = arith.constant 88 : i32
        %dma_start3A_269 = arith.constant 0 : i32
        %dma_start3A_270 = tpu.memref_slice %arg7[%dma_start3A_268, %dma_start3A_269] : memref<89x128xf32, #tpu.memory_space<vmem_shared>> -> memref<1x128xf32, #tpu.memory_space<vmem_shared>>
        %dma_start3A_271 = arith.constant 88 : i32
        %dma_start3A_272 = arith.constant 0 : i32
        %dma_start3A_273 = tpu.memref_slice %arg7[%dma_start3A_271, %dma_start3A_272] : memref<89x128xf32, #tpu.memory_space<vmem_shared>> -> memref<1x128xf32, #tpu.memory_space<vmem_shared>>
        %dma_start3A_274 = arith.constant 0 : i32
        %dma_start3A_275 = arith.constant 0 : i32
        %dma_start3A_276 = tpu.memref_slice %arg6[%dma_start3A_274, %dma_start3A_275] : memref<8x128xf32, #tpu.memory_space<vmem>> -> memref<1x128xf32, #tpu.memory_space<vmem>>
        tpu.enqueue_dma source(%dma_start3A_276 : memref<1x128xf32, #tpu.memory_space<vmem>>) target(%dma_start3A_273 : memref<1x128xf32, #tpu.memory_space<vmem_shared>>) target_semaphore(%run_scoped3A : memref<!tpu.dma_semaphore, #tpu.memory_space<semaphore_mem>>)
        %dma_wait3A = arith.constant 0 : i32
        %dma_wait3A_277 = arith.constant 0 : i32
        %dma_wait3A_278 = tpu.memref_slice %arg6[%dma_wait3A, %dma_wait3A_277] : memref<8x128xf32, #tpu.memory_space<vmem>> -> memref<1x128xf32, #tpu.memory_space<vmem>>
        %dma_wait3A_279 = arith.constant 88 : i32
        %dma_wait3A_280 = arith.constant 0 : i32
        %dma_wait3A_281 = tpu.memref_slice %arg7[%dma_wait3A_279, %dma_wait3A_280] : memref<89x128xf32, #tpu.memory_space<vmem_shared>> -> memref<1x128xf32, #tpu.memory_space<vmem_shared>>
        %dma_wait3A_282 = arith.constant 88 : i32
        %dma_wait3A_283 = arith.constant 0 : i32
        %dma_wait3A_284 = tpu.memref_slice %arg7[%dma_wait3A_282, %dma_wait3A_283] : memref<89x128xf32, #tpu.memory_space<vmem_shared>> -> memref<1x128xf32, #tpu.memory_space<vmem_shared>>
        %dma_wait3A_285 = arith.constant 0 : i32
        %dma_wait3A_286 = arith.constant 0 : i32
        %dma_wait3A_287 = tpu.memref_slice %arg6[%dma_wait3A_285, %dma_wait3A_286] : memref<8x128xf32, #tpu.memory_space<vmem>> -> memref<1x128xf32, #tpu.memory_space<vmem>>
        tpu.wait_dma2 semaphore(%run_scoped3A : memref<!tpu.dma_semaphore, #tpu.memory_space<semaphore_mem>>) src(%dma_wait3A_287 : memref<1x128xf32, #tpu.memory_space<vmem>>) dst(%dma_wait3A_284 : memref<1x128xf32, #tpu.memory_space<vmem_shared>>)
        tpu.yield
      }) : () -> ()
    } else {
    }
    %mul3A_19 = arith.constant 128 : i32
    %mul3A_20 = arith.muli %add3A_4, %mul3A_19 : i32
    %sub3A = arith.subi %mul3A_20, %select_n3A : i32
    "tpu.region"() ({
      %run_scoped3A = tpu.sem_alloc : memref<!tpu.dma_semaphore, #tpu.memory_space<semaphore_mem>>
      %dma_start3A_155 = tpu.memref_slice %arg2[%sub3A] : memref<100000xi32, #tpu.memory_space<hbm>> -> memref<3200xi32, #tpu.memory_space<hbm>>
      %dma_start3A_156 = tpu.memref_slice %arg2[%sub3A] : memref<100000xi32, #tpu.memory_space<hbm>> -> memref<3200xi32, #tpu.memory_space<hbm>>
      tpu.enqueue_dma source(%dma_start3A_156 : memref<3200xi32, #tpu.memory_space<hbm>>) target(%arg5 : memref<3200xi32, #tpu.memory_space<vmem>>) target_semaphore(%run_scoped3A : memref<!tpu.dma_semaphore, #tpu.memory_space<semaphore_mem>>)
      %dma_wait3A = tpu.memref_slice %arg2[%sub3A] : memref<100000xi32, #tpu.memory_space<hbm>> -> memref<3200xi32, #tpu.memory_space<hbm>>
      %dma_wait3A_157 = tpu.memref_slice %arg2[%sub3A] : memref<100000xi32, #tpu.memory_space<hbm>> -> memref<3200xi32, #tpu.memory_space<hbm>>
      tpu.wait_dma2 semaphore(%run_scoped3A : memref<!tpu.dma_semaphore, #tpu.memory_space<semaphore_mem>>) src(%dma_wait3A_157 : memref<3200xi32, #tpu.memory_space<hbm>>) dst(%arg5 : memref<3200xi32, #tpu.memory_space<vmem>>)
      tpu.yield
    }) : () -> ()
    %barrier3A = arith.constant 0 : index
    tpu.barrier barrier_id(%barrier3A)
    %add3A_21 = arith.constant 0 : i32
    %add3A_22 = arith.addi %select_n3A, %add3A_21 : i32
    %dma_start3A = arith.constant 0 : i32
    %dma_start3A_23 = arith.constant 0 : i32
    %dma_start3A_24 = arith.constant 0 : i32
    %dma_start3A_25 = tpu.memref_slice %arg8[%dma_start3A, %dma_start3A_23, %dma_start3A_24] : memref<4x128x128xf32, #tpu.memory_space<vmem>> -> memref<1x128x128xf32, #tpu.memory_space<vmem>>
    %dma_start3A_26 = tpu.memref_squeeze %dma_start3A_25 : memref<1x128x128xf32, #tpu.memory_space<vmem>> -> memref<128x128xf32, #tpu.memory_space<vmem>>
    %dma_start3A_27 = tpu.memref_slice %arg5[%add3A_22] : memref<3200xi32, #tpu.memory_space<vmem>> -> memref<128xi32, #tpu.memory_space<vmem>>
    %dma_start3A_28 = arith.constant 0 : i32
    %dma_start3A_29 = arith.constant 0 : i32
    %dma_start3A_30 = tpu.memref_slice %arg7[%dma_start3A_28, %dma_start3A_29] : memref<89x128xf32, #tpu.memory_space<vmem_shared>> -> memref<89x128xf32, #tpu.memory_space<vmem_shared>>
    tpu.enqueue_indirect_dma source(%dma_start3A_30 : memref<89x128xf32, #tpu.memory_space<vmem_shared>>) target(%dma_start3A_26 : memref<128x128xf32, #tpu.memory_space<vmem>>) offsets(%dma_start3A_27 : memref<128xi32, #tpu.memory_space<vmem>>) semaphore(%arg9 : memref<!tpu.dma_semaphore, #tpu.memory_space<semaphore_mem>>)
    %add3A_31 = arith.constant 128 : i32
    %add3A_32 = arith.addi %select_n3A, %add3A_31 : i32
    %dma_start3A_33 = arith.constant 1 : i32
    %dma_start3A_34 = arith.constant 0 : i32
    %dma_start3A_35 = arith.constant 0 : i32
    %dma_start3A_36 = tpu.memref_slice %arg8[%dma_start3A_33, %dma_start3A_34, %dma_start3A_35] : memref<4x128x128xf32, #tpu.memory_space<vmem>> -> memref<1x128x128xf32, #tpu.memory_space<vmem>>
    %dma_start3A_37 = tpu.memref_squeeze %dma_start3A_36 : memref<1x128x128xf32, #tpu.memory_space<vmem>> -> memref<128x128xf32, #tpu.memory_space<vmem>>
    %dma_start3A_38 = tpu.memref_slice %arg5[%add3A_32] : memref<3200xi32, #tpu.memory_space<vmem>> -> memref<128xi32, #tpu.memory_space<vmem>>
    %dma_start3A_39 = arith.constant 0 : i32
    %dma_start3A_40 = arith.constant 0 : i32
    %dma_start3A_41 = tpu.memref_slice %arg7[%dma_start3A_39, %dma_start3A_40] : memref<89x128xf32, #tpu.memory_space<vmem_shared>> -> memref<89x128xf32, #tpu.memory_space<vmem_shared>>
    tpu.enqueue_indirect_dma source(%dma_start3A_41 : memref<89x128xf32, #tpu.memory_space<vmem_shared>>) target(%dma_start3A_37 : memref<128x128xf32, #tpu.memory_space<vmem>>) offsets(%dma_start3A_38 : memref<128xi32, #tpu.memory_space<vmem>>) semaphore(%arg10 : memref<!tpu.dma_semaphore, #tpu.memory_space<semaphore_mem>>)
    %add3A_42 = arith.constant 256 : i32
    %add3A_43 = arith.addi %select_n3A, %add3A_42 : i32
    %dma_start3A_44 = arith.constant 2 : i32
    %dma_start3A_45 = arith.constant 0 : i32
    %dma_start3A_46 = arith.constant 0 : i32
    %dma_start3A_47 = tpu.memref_slice %arg8[%dma_start3A_44, %dma_start3A_45, %dma_start3A_46] : memref<4x128x128xf32, #tpu.memory_space<vmem>> -> memref<1x128x128xf32, #tpu.memory_space<vmem>>
    %dma_start3A_48 = tpu.memref_squeeze %dma_start3A_47 : memref<1x128x128xf32, #tpu.memory_space<vmem>> -> memref<128x128xf32, #tpu.memory_space<vmem>>
    %dma_start3A_49 = tpu.memref_slice %arg5[%add3A_43] : memref<3200xi32, #tpu.memory_space<vmem>> -> memref<128xi32, #tpu.memory_space<vmem>>
    %dma_start3A_50 = arith.constant 0 : i32
    %dma_start3A_51 = arith.constant 0 : i32
    %dma_start3A_52 = tpu.memref_slice %arg7[%dma_start3A_50, %dma_start3A_51] : memref<89x128xf32, #tpu.memory_space<vmem_shared>> -> memref<89x128xf32, #tpu.memory_space<vmem_shared>>
    tpu.enqueue_indirect_dma source(%dma_start3A_52 : memref<89x128xf32, #tpu.memory_space<vmem_shared>>) target(%dma_start3A_48 : memref<128x128xf32, #tpu.memory_space<vmem>>) offsets(%dma_start3A_49 : memref<128xi32, #tpu.memory_space<vmem>>) semaphore(%arg11 : memref<!tpu.dma_semaphore, #tpu.memory_space<semaphore_mem>>)
    %add3A_53 = arith.constant 384 : i32
    %add3A_54 = arith.addi %select_n3A, %add3A_53 : i32
    %dma_start3A_55 = arith.constant 3 : i32
    %dma_start3A_56 = arith.constant 0 : i32
    %dma_start3A_57 = arith.constant 0 : i32
    %dma_start3A_58 = tpu.memref_slice %arg8[%dma_start3A_55, %dma_start3A_56, %dma_start3A_57] : memref<4x128x128xf32, #tpu.memory_space<vmem>> -> memref<1x128x128xf32, #tpu.memory_space<vmem>>
    %dma_start3A_59 = tpu.memref_squeeze %dma_start3A_58 : memref<1x128x128xf32, #tpu.memory_space<vmem>> -> memref<128x128xf32, #tpu.memory_space<vmem>>
    %dma_start3A_60 = tpu.memref_slice %arg5[%add3A_54] : memref<3200xi32, #tpu.memory_space<vmem>> -> memref<128xi32, #tpu.memory_space<vmem>>
    %dma_start3A_61 = arith.constant 0 : i32
    %dma_start3A_62 = arith.constant 0 : i32
    %dma_start3A_63 = tpu.memref_slice %arg7[%dma_start3A_61, %dma_start3A_62] : memref<89x128xf32, #tpu.memory_space<vmem_shared>> -> memref<89x128xf32, #tpu.memory_space<vmem_shared>>
    tpu.enqueue_indirect_dma source(%dma_start3A_63 : memref<89x128xf32, #tpu.memory_space<vmem_shared>>) target(%dma_start3A_59 : memref<128x128xf32, #tpu.memory_space<vmem>>) offsets(%dma_start3A_60 : memref<128xi32, #tpu.memory_space<vmem>>) semaphore(%arg12 : memref<!tpu.dma_semaphore, #tpu.memory_space<semaphore_mem>>)
    %scan3A = arith.constant 0 : i32
    %scan3A_64 = arith.constant 0 : i32
    %scan3A_65 = arith.constant 7 : i32
    %scan3A_66 = arith.addi %scan3A_64, %scan3A_65 : i32
    %scan3A_67 = arith.constant 1 : i32
    scf.for %scan3A_155 = %scan3A_64 to %scan3A_66 step %scan3A_67  : i32 {
      %mul3A_156 = arith.constant 4 : i32
      %mul3A_157 = arith.muli %scan3A_155, %mul3A_156 : i32
      %add3A_158 = arith.constant 0 : i32
      %add3A_159 = arith.addi %mul3A_157, %add3A_158 : i32
      %lt3A_160 = arith.cmpi slt, %add3A_159, %add3A_9 : i32
      %convert_element_type3A_161 = arith.extui %lt3A_160 : i1 to i32
      %cond3A_162 = arith.constant 0 : i32
      %cond3A_163 = arith.cmpi ne, %convert_element_type3A_161, %cond3A_162 : i32
      scf.if %cond3A_163 {
        %dma_wait3A = arith.constant 0 : i32
        %dma_wait3A_188 = arith.constant 0 : i32
        %dma_wait3A_189 = arith.constant 0 : i32
        %dma_wait3A_190 = tpu.memref_slice %arg8[%dma_wait3A, %dma_wait3A_188, %dma_wait3A_189] : memref<4x128x128xf32, #tpu.memory_space<vmem>> -> memref<1x128x128xf32, #tpu.memory_space<vmem>>
        %dma_wait3A_191 = tpu.memref_squeeze %dma_wait3A_190 : memref<1x128x128xf32, #tpu.memory_space<vmem>> -> memref<128x128xf32, #tpu.memory_space<vmem>>
        %dma_wait3A_192 = arith.constant 0 : i32
        %dma_wait3A_193 = arith.constant 0 : i32
        %dma_wait3A_194 = tpu.memref_slice %arg4[%dma_wait3A_192, %dma_wait3A_193] : memref<100000x128xf32, #tpu.memory_space<hbm>> -> memref<128x128xf32, #tpu.memory_space<hbm>>
        %dma_wait3A_195 = arith.constant 0 : i32
        %dma_wait3A_196 = arith.constant 0 : i32
        %dma_wait3A_197 = tpu.memref_slice %arg8[%dma_wait3A, %dma_wait3A_195, %dma_wait3A_196] : memref<4x128x128xf32, #tpu.memory_space<vmem>> -> memref<1x128x128xf32, #tpu.memory_space<vmem>>
        %dma_wait3A_198 = tpu.memref_squeeze %dma_wait3A_197 : memref<1x128x128xf32, #tpu.memory_space<vmem>> -> memref<128x128xf32, #tpu.memory_space<vmem>>
        %dma_wait3A_199 = arith.constant 0 : i32
        %dma_wait3A_200 = arith.constant 0 : i32
        %dma_wait3A_201 = tpu.memref_slice %arg4[%dma_wait3A_199, %dma_wait3A_200] : memref<100000x128xf32, #tpu.memory_space<hbm>> -> memref<128x128xf32, #tpu.memory_space<hbm>>
        tpu.wait_dma2 semaphore(%arg9 : memref<!tpu.dma_semaphore, #tpu.memory_space<semaphore_mem>>) src(%dma_wait3A_201 : memref<128x128xf32, #tpu.memory_space<hbm>>) dst(%dma_wait3A_198 : memref<128x128xf32, #tpu.memory_space<vmem>>)
        %add3A_202 = arith.addi %add3A_4, %add3A_159 : i32
        %mul3A_203 = arith.constant 128 : i32
        %mul3A_204 = arith.muli %add3A_202, %mul3A_203 : i32
        %dma_start3A_205 = arith.constant 0 : i32
        %dma_start3A_206 = arith.constant 0 : i32
        %dma_start3A_207 = arith.constant 0 : i32
        %dma_start3A_208 = tpu.memref_slice %arg8[%dma_start3A_205, %dma_start3A_206, %dma_start3A_207] : memref<4x128x128xf32, #tpu.memory_space<vmem>> -> memref<1x128x128xf32, #tpu.memory_space<vmem>>
        %dma_start3A_209 = tpu.memref_squeeze %dma_start3A_208 : memref<1x128x128xf32, #tpu.memory_space<vmem>> -> memref<128x128xf32, #tpu.memory_space<vmem>>
        %dma_start3A_210 = arith.constant 0 : i32
        %dma_start3A_211 = tpu.memref_slice %arg4[%mul3A_204, %dma_start3A_210] : memref<100000x128xf32, #tpu.memory_space<hbm>> -> memref<128x128xf32, #tpu.memory_space<hbm>>
        %dma_start3A_212 = arith.constant 0 : i32
        %dma_start3A_213 = tpu.memref_slice %arg4[%mul3A_204, %dma_start3A_212] : memref<100000x128xf32, #tpu.memory_space<hbm>> -> memref<128x128xf32, #tpu.memory_space<hbm>>
        %dma_start3A_214 = arith.constant 0 : i32
        %dma_start3A_215 = arith.constant 0 : i32
        %dma_start3A_216 = tpu.memref_slice %arg8[%dma_start3A_205, %dma_start3A_214, %dma_start3A_215] : memref<4x128x128xf32, #tpu.memory_space<vmem>> -> memref<1x128x128xf32, #tpu.memory_space<vmem>>
        %dma_start3A_217 = tpu.memref_squeeze %dma_start3A_216 : memref<1x128x128xf32, #tpu.memory_space<vmem>> -> memref<128x128xf32, #tpu.memory_space<vmem>>
        tpu.enqueue_dma source(%dma_start3A_217 : memref<128x128xf32, #tpu.memory_space<vmem>>) target(%dma_start3A_213 : memref<128x128xf32, #tpu.memory_space<hbm>>) target_semaphore(%arg13 : memref<!tpu.dma_semaphore, #tpu.memory_space<semaphore_mem>>)
        %ge3A = arith.constant 1 : i32
        %ge3A_218 = arith.cmpi sge, %add3A_159, %ge3A : i32
        %convert_element_type3A_219 = arith.extui %ge3A_218 : i1 to i32
        %cond3A_220 = arith.constant 0 : i32
        %cond3A_221 = arith.cmpi ne, %convert_element_type3A_219, %cond3A_220 : i32
        scf.if %cond3A_221 {
          %dma_wait3A_222 = arith.constant 3 : i32
          %dma_wait3A_223 = arith.constant 0 : i32
          %dma_wait3A_224 = arith.constant 0 : i32
          %dma_wait3A_225 = tpu.memref_slice %arg8[%dma_wait3A_222, %dma_wait3A_223, %dma_wait3A_224] : memref<4x128x128xf32, #tpu.memory_space<vmem>> -> memref<1x128x128xf32, #tpu.memory_space<vmem>>
          %dma_wait3A_226 = tpu.memref_squeeze %dma_wait3A_225 : memref<1x128x128xf32, #tpu.memory_space<vmem>> -> memref<128x128xf32, #tpu.memory_space<vmem>>
          %dma_wait3A_227 = arith.constant 0 : i32
          %dma_wait3A_228 = arith.constant 0 : i32
          %dma_wait3A_229 = tpu.memref_slice %arg4[%dma_wait3A_227, %dma_wait3A_228] : memref<100000x128xf32, #tpu.memory_space<hbm>> -> memref<128x128xf32, #tpu.memory_space<hbm>>
          %dma_wait3A_230 = arith.constant 0 : i32
          %dma_wait3A_231 = arith.constant 0 : i32
          %dma_wait3A_232 = tpu.memref_slice %arg4[%dma_wait3A_230, %dma_wait3A_231] : memref<100000x128xf32, #tpu.memory_space<hbm>> -> memref<128x128xf32, #tpu.memory_space<hbm>>
          %dma_wait3A_233 = arith.constant 0 : i32
          %dma_wait3A_234 = arith.constant 0 : i32
          %dma_wait3A_235 = tpu.memref_slice %arg8[%dma_wait3A_222, %dma_wait3A_233, %dma_wait3A_234] : memref<4x128x128xf32, #tpu.memory_space<vmem>> -> memref<1x128x128xf32, #tpu.memory_space<vmem>>
          %dma_wait3A_236 = tpu.memref_squeeze %dma_wait3A_235 : memref<1x128x128xf32, #tpu.memory_space<vmem>> -> memref<128x128xf32, #tpu.memory_space<vmem>>
          tpu.wait_dma2 semaphore(%arg16 : memref<!tpu.dma_semaphore, #tpu.memory_space<semaphore_mem>>) src(%dma_wait3A_236 : memref<128x128xf32, #tpu.memory_space<vmem>>) dst(%dma_wait3A_232 : memref<128x128xf32, #tpu.memory_space<hbm>>)
          %sub3A_237 = arith.constant 1 : i32
          %sub3A_238 = arith.subi %add3A_159, %sub3A_237 : i32
          %add3A_239 = arith.constant 4 : i32
          %add3A_240 = arith.addi %sub3A_238, %add3A_239 : i32
          %lt3A_241 = arith.cmpi slt, %add3A_240, %add3A_9 : i32
          %convert_element_type3A_242 = arith.extui %lt3A_241 : i1 to i32
          %cond3A_243 = arith.constant 0 : i32
          %cond3A_244 = arith.cmpi ne, %convert_element_type3A_242, %cond3A_243 : i32
          scf.if %cond3A_244 {
            %mul3A_245 = arith.constant 128 : i32
            %mul3A_246 = arith.muli %add3A_240, %mul3A_245 : i32
            %add3A_247 = arith.addi %select_n3A, %mul3A_246 : i32
            %dma_start3A_248 = arith.constant 3 : i32
            %dma_start3A_249 = arith.constant 0 : i32
            %dma_start3A_250 = arith.constant 0 : i32
            %dma_start3A_251 = tpu.memref_slice %arg8[%dma_start3A_248, %dma_start3A_249, %dma_start3A_250] : memref<4x128x128xf32, #tpu.memory_space<vmem>> -> memref<1x128x128xf32, #tpu.memory_space<vmem>>
            %dma_start3A_252 = tpu.memref_squeeze %dma_start3A_251 : memref<1x128x128xf32, #tpu.memory_space<vmem>> -> memref<128x128xf32, #tpu.memory_space<vmem>>
            %dma_start3A_253 = tpu.memref_slice %arg5[%add3A_247] : memref<3200xi32, #tpu.memory_space<vmem>> -> memref<128xi32, #tpu.memory_space<vmem>>
            %dma_start3A_254 = arith.constant 0 : i32
            %dma_start3A_255 = arith.constant 0 : i32
            %dma_start3A_256 = tpu.memref_slice %arg7[%dma_start3A_254, %dma_start3A_255] : memref<89x128xf32, #tpu.memory_space<vmem_shared>> -> memref<89x128xf32, #tpu.memory_space<vmem_shared>>
            tpu.enqueue_indirect_dma source(%dma_start3A_256 : memref<89x128xf32, #tpu.memory_space<vmem_shared>>) target(%dma_start3A_252 : memref<128x128xf32, #tpu.memory_space<vmem>>) offsets(%dma_start3A_253 : memref<128xi32, #tpu.memory_space<vmem>>) semaphore(%arg12 : memref<!tpu.dma_semaphore, #tpu.memory_space<semaphore_mem>>)
          } else {
          }
        } else {
        }
      } else {
      }
      %mul3A_164 = arith.constant 4 : i32
      %mul3A_165 = arith.muli %scan3A_155, %mul3A_164 : i32
      %add3A_166 = arith.constant 1 : i32
      %add3A_167 = arith.addi %mul3A_165, %add3A_166 : i32
      %lt3A_168 = arith.cmpi slt, %add3A_167, %add3A_9 : i32
      %convert_element_type3A_169 = arith.extui %lt3A_168 : i1 to i32
      %cond3A_170 = arith.constant 0 : i32
      %cond3A_171 = arith.cmpi ne, %convert_element_type3A_169, %cond3A_170 : i32
      scf.if %cond3A_171 {
        %dma_wait3A = arith.constant 1 : i32
        %dma_wait3A_188 = arith.constant 0 : i32
        %dma_wait3A_189 = arith.constant 0 : i32
        %dma_wait3A_190 = tpu.memref_slice %arg8[%dma_wait3A, %dma_wait3A_188, %dma_wait3A_189] : memref<4x128x128xf32, #tpu.memory_space<vmem>> -> memref<1x128x128xf32, #tpu.memory_space<vmem>>
        %dma_wait3A_191 = tpu.memref_squeeze %dma_wait3A_190 : memref<1x128x128xf32, #tpu.memory_space<vmem>> -> memref<128x128xf32, #tpu.memory_space<vmem>>
        %dma_wait3A_192 = arith.constant 0 : i32
        %dma_wait3A_193 = arith.constant 0 : i32
        %dma_wait3A_194 = tpu.memref_slice %arg4[%dma_wait3A_192, %dma_wait3A_193] : memref<100000x128xf32, #tpu.memory_space<hbm>> -> memref<128x128xf32, #tpu.memory_space<hbm>>
        %dma_wait3A_195 = arith.constant 0 : i32
        %dma_wait3A_196 = arith.constant 0 : i32
        %dma_wait3A_197 = tpu.memref_slice %arg8[%dma_wait3A, %dma_wait3A_195, %dma_wait3A_196] : memref<4x128x128xf32, #tpu.memory_space<vmem>> -> memref<1x128x128xf32, #tpu.memory_space<vmem>>
        %dma_wait3A_198 = tpu.memref_squeeze %dma_wait3A_197 : memref<1x128x128xf32, #tpu.memory_space<vmem>> -> memref<128x128xf32, #tpu.memory_space<vmem>>
        %dma_wait3A_199 = arith.constant 0 : i32
        %dma_wait3A_200 = arith.constant 0 : i32
        %dma_wait3A_201 = tpu.memref_slice %arg4[%dma_wait3A_199, %dma_wait3A_200] : memref<100000x128xf32, #tpu.memory_space<hbm>> -> memref<128x128xf32, #tpu.memory_space<hbm>>
        tpu.wait_dma2 semaphore(%arg10 : memref<!tpu.dma_semaphore, #tpu.memory_space<semaphore_mem>>) src(%dma_wait3A_201 : memref<128x128xf32, #tpu.memory_space<hbm>>) dst(%dma_wait3A_198 : memref<128x128xf32, #tpu.memory_space<vmem>>)
        %add3A_202 = arith.addi %add3A_4, %add3A_167 : i32
        %mul3A_203 = arith.constant 128 : i32
        %mul3A_204 = arith.muli %add3A_202, %mul3A_203 : i32
        %dma_start3A_205 = arith.constant 1 : i32
        %dma_start3A_206 = arith.constant 0 : i32
        %dma_start3A_207 = arith.constant 0 : i32
        %dma_start3A_208 = tpu.memref_slice %arg8[%dma_start3A_205, %dma_start3A_206, %dma_start3A_207] : memref<4x128x128xf32, #tpu.memory_space<vmem>> -> memref<1x128x128xf32, #tpu.memory_space<vmem>>
        %dma_start3A_209 = tpu.memref_squeeze %dma_start3A_208 : memref<1x128x128xf32, #tpu.memory_space<vmem>> -> memref<128x128xf32, #tpu.memory_space<vmem>>
        %dma_start3A_210 = arith.constant 0 : i32
        %dma_start3A_211 = tpu.memref_slice %arg4[%mul3A_204, %dma_start3A_210] : memref<100000x128xf32, #tpu.memory_space<hbm>> -> memref<128x128xf32, #tpu.memory_space<hbm>>
        %dma_start3A_212 = arith.constant 0 : i32
        %dma_start3A_213 = tpu.memref_slice %arg4[%mul3A_204, %dma_start3A_212] : memref<100000x128xf32, #tpu.memory_space<hbm>> -> memref<128x128xf32, #tpu.memory_space<hbm>>
        %dma_start3A_214 = arith.constant 0 : i32
        %dma_start3A_215 = arith.constant 0 : i32
        %dma_start3A_216 = tpu.memref_slice %arg8[%dma_start3A_205, %dma_start3A_214, %dma_start3A_215] : memref<4x128x128xf32, #tpu.memory_space<vmem>> -> memref<1x128x128xf32, #tpu.memory_space<vmem>>
        %dma_start3A_217 = tpu.memref_squeeze %dma_start3A_216 : memref<1x128x128xf32, #tpu.memory_space<vmem>> -> memref<128x128xf32, #tpu.memory_space<vmem>>
        tpu.enqueue_dma source(%dma_start3A_217 : memref<128x128xf32, #tpu.memory_space<vmem>>) target(%dma_start3A_213 : memref<128x128xf32, #tpu.memory_space<hbm>>) target_semaphore(%arg14 : memref<!tpu.dma_semaphore, #tpu.memory_space<semaphore_mem>>)
        %ge3A = arith.constant 1 : i32
        %ge3A_218 = arith.cmpi sge, %add3A_167, %ge3A : i32
        %convert_element_type3A_219 = arith.extui %ge3A_218 : i1 to i32
        %cond3A_220 = arith.constant 0 : i32
        %cond3A_221 = arith.cmpi ne, %convert_element_type3A_219, %cond3A_220 : i32
        scf.if %cond3A_221 {
          %dma_wait3A_222 = arith.constant 0 : i32
          %dma_wait3A_223 = arith.constant 0 : i32
          %dma_wait3A_224 = arith.constant 0 : i32
          %dma_wait3A_225 = tpu.memref_slice %arg8[%dma_wait3A_222, %dma_wait3A_223, %dma_wait3A_224] : memref<4x128x128xf32, #tpu.memory_space<vmem>> -> memref<1x128x128xf32, #tpu.memory_space<vmem>>
          %dma_wait3A_226 = tpu.memref_squeeze %dma_wait3A_225 : memref<1x128x128xf32, #tpu.memory_space<vmem>> -> memref<128x128xf32, #tpu.memory_space<vmem>>
          %dma_wait3A_227 = arith.constant 0 : i32
          %dma_wait3A_228 = arith.constant 0 : i32
          %dma_wait3A_229 = tpu.memref_slice %arg4[%dma_wait3A_227, %dma_wait3A_228] : memref<100000x128xf32, #tpu.memory_space<hbm>> -> memref<128x128xf32, #tpu.memory_space<hbm>>
          %dma_wait3A_230 = arith.constant 0 : i32
          %dma_wait3A_231 = arith.constant 0 : i32
          %dma_wait3A_232 = tpu.memref_slice %arg4[%dma_wait3A_230, %dma_wait3A_231] : memref<100000x128xf32, #tpu.memory_space<hbm>> -> memref<128x128xf32, #tpu.memory_space<hbm>>
          %dma_wait3A_233 = arith.constant 0 : i32
          %dma_wait3A_234 = arith.constant 0 : i32
          %dma_wait3A_235 = tpu.memref_slice %arg8[%dma_wait3A_222, %dma_wait3A_233, %dma_wait3A_234] : memref<4x128x128xf32, #tpu.memory_space<vmem>> -> memref<1x128x128xf32, #tpu.memory_space<vmem>>
          %dma_wait3A_236 = tpu.memref_squeeze %dma_wait3A_235 : memref<1x128x128xf32, #tpu.memory_space<vmem>> -> memref<128x128xf32, #tpu.memory_space<vmem>>
          tpu.wait_dma2 semaphore(%arg13 : memref<!tpu.dma_semaphore, #tpu.memory_space<semaphore_mem>>) src(%dma_wait3A_236 : memref<128x128xf32, #tpu.memory_space<vmem>>) dst(%dma_wait3A_232 : memref<128x128xf32, #tpu.memory_space<hbm>>)
          %sub3A_237 = arith.constant 1 : i32
          %sub3A_238 = arith.subi %add3A_167, %sub3A_237 : i32
          %add3A_239 = arith.constant 4 : i32
          %add3A_240 = arith.addi %sub3A_238, %add3A_239 : i32
          %lt3A_241 = arith.cmpi slt, %add3A_240, %add3A_9 : i32
          %convert_element_type3A_242 = arith.extui %lt3A_241 : i1 to i32
          %cond3A_243 = arith.constant 0 : i32
          %cond3A_244 = arith.cmpi ne, %convert_element_type3A_242, %cond3A_243 : i32
          scf.if %cond3A_244 {
            %mul3A_245 = arith.constant 128 : i32
            %mul3A_246 = arith.muli %add3A_240, %mul3A_245 : i32
            %add3A_247 = arith.addi %select_n3A, %mul3A_246 : i32
            %dma_start3A_248 = arith.constant 0 : i32
            %dma_start3A_249 = arith.constant 0 : i32
            %dma_start3A_250 = arith.constant 0 : i32
            %dma_start3A_251 = tpu.memref_slice %arg8[%dma_start3A_248, %dma_start3A_249, %dma_start3A_250] : memref<4x128x128xf32, #tpu.memory_space<vmem>> -> memref<1x128x128xf32, #tpu.memory_space<vmem>>
            %dma_start3A_252 = tpu.memref_squeeze %dma_start3A_251 : memref<1x128x128xf32, #tpu.memory_space<vmem>> -> memref<128x128xf32, #tpu.memory_space<vmem>>
            %dma_start3A_253 = tpu.memref_slice %arg5[%add3A_247] : memref<3200xi32, #tpu.memory_space<vmem>> -> memref<128xi32, #tpu.memory_space<vmem>>
            %dma_start3A_254 = arith.constant 0 : i32
            %dma_start3A_255 = arith.constant 0 : i32
            %dma_start3A_256 = tpu.memref_slice %arg7[%dma_start3A_254, %dma_start3A_255] : memref<89x128xf32, #tpu.memory_space<vmem_shared>> -> memref<89x128xf32, #tpu.memory_space<vmem_shared>>
            tpu.enqueue_indirect_dma source(%dma_start3A_256 : memref<89x128xf32, #tpu.memory_space<vmem_shared>>) target(%dma_start3A_252 : memref<128x128xf32, #tpu.memory_space<vmem>>) offsets(%dma_start3A_253 : memref<128xi32, #tpu.memory_space<vmem>>) semaphore(%arg9 : memref<!tpu.dma_semaphore, #tpu.memory_space<semaphore_mem>>)
          } else {
          }
        } else {
        }
      } else {
      }
      %mul3A_172 = arith.constant 4 : i32
      %mul3A_173 = arith.muli %scan3A_155, %mul3A_172 : i32
      %add3A_174 = arith.constant 2 : i32
      %add3A_175 = arith.addi %mul3A_173, %add3A_174 : i32
      %lt3A_176 = arith.cmpi slt, %add3A_175, %add3A_9 : i32
      %convert_element_type3A_177 = arith.extui %lt3A_176 : i1 to i32
      %cond3A_178 = arith.constant 0 : i32
      %cond3A_179 = arith.cmpi ne, %convert_element_type3A_177, %cond3A_178 : i32
      scf.if %cond3A_179 {
        %dma_wait3A = arith.constant 2 : i32
        %dma_wait3A_188 = arith.constant 0 : i32
        %dma_wait3A_189 = arith.constant 0 : i32
        %dma_wait3A_190 = tpu.memref_slice %arg8[%dma_wait3A, %dma_wait3A_188, %dma_wait3A_189] : memref<4x128x128xf32, #tpu.memory_space<vmem>> -> memref<1x128x128xf32, #tpu.memory_space<vmem>>
        %dma_wait3A_191 = tpu.memref_squeeze %dma_wait3A_190 : memref<1x128x128xf32, #tpu.memory_space<vmem>> -> memref<128x128xf32, #tpu.memory_space<vmem>>
        %dma_wait3A_192 = arith.constant 0 : i32
        %dma_wait3A_193 = arith.constant 0 : i32
        %dma_wait3A_194 = tpu.memref_slice %arg4[%dma_wait3A_192, %dma_wait3A_193] : memref<100000x128xf32, #tpu.memory_space<hbm>> -> memref<128x128xf32, #tpu.memory_space<hbm>>
        %dma_wait3A_195 = arith.constant 0 : i32
        %dma_wait3A_196 = arith.constant 0 : i32
        %dma_wait3A_197 = tpu.memref_slice %arg8[%dma_wait3A, %dma_wait3A_195, %dma_wait3A_196] : memref<4x128x128xf32, #tpu.memory_space<vmem>> -> memref<1x128x128xf32, #tpu.memory_space<vmem>>
        %dma_wait3A_198 = tpu.memref_squeeze %dma_wait3A_197 : memref<1x128x128xf32, #tpu.memory_space<vmem>> -> memref<128x128xf32, #tpu.memory_space<vmem>>
        %dma_wait3A_199 = arith.constant 0 : i32
        %dma_wait3A_200 = arith.constant 0 : i32
        %dma_wait3A_201 = tpu.memref_slice %arg4[%dma_wait3A_199, %dma_wait3A_200] : memref<100000x128xf32, #tpu.memory_space<hbm>> -> memref<128x128xf32, #tpu.memory_space<hbm>>
        tpu.wait_dma2 semaphore(%arg11 : memref<!tpu.dma_semaphore, #tpu.memory_space<semaphore_mem>>) src(%dma_wait3A_201 : memref<128x128xf32, #tpu.memory_space<hbm>>) dst(%dma_wait3A_198 : memref<128x128xf32, #tpu.memory_space<vmem>>)
        %add3A_202 = arith.addi %add3A_4, %add3A_175 : i32
        %mul3A_203 = arith.constant 128 : i32
        %mul3A_204 = arith.muli %add3A_202, %mul3A_203 : i32
        %dma_start3A_205 = arith.constant 2 : i32
        %dma_start3A_206 = arith.constant 0 : i32
        %dma_start3A_207 = arith.constant 0 : i32
        %dma_start3A_208 = tpu.memref_slice %arg8[%dma_start3A_205, %dma_start3A_206, %dma_start3A_207] : memref<4x128x128xf32, #tpu.memory_space<vmem>> -> memref<1x128x128xf32, #tpu.memory_space<vmem>>
        %dma_start3A_209 = tpu.memref_squeeze %dma_start3A_208 : memref<1x128x128xf32, #tpu.memory_space<vmem>> -> memref<128x128xf32, #tpu.memory_space<vmem>>
        %dma_start3A_210 = arith.constant 0 : i32
        %dma_start3A_211 = tpu.memref_slice %arg4[%mul3A_204, %dma_start3A_210] : memref<100000x128xf32, #tpu.memory_space<hbm>> -> memref<128x128xf32, #tpu.memory_space<hbm>>
        %dma_start3A_212 = arith.constant 0 : i32
        %dma_start3A_213 = tpu.memref_slice %arg4[%mul3A_204, %dma_start3A_212] : memref<100000x128xf32, #tpu.memory_space<hbm>> -> memref<128x128xf32, #tpu.memory_space<hbm>>
        %dma_start3A_214 = arith.constant 0 : i32
        %dma_start3A_215 = arith.constant 0 : i32
        %dma_start3A_216 = tpu.memref_slice %arg8[%dma_start3A_205, %dma_start3A_214, %dma_start3A_215] : memref<4x128x128xf32, #tpu.memory_space<vmem>> -> memref<1x128x128xf32, #tpu.memory_space<vmem>>
        %dma_start3A_217 = tpu.memref_squeeze %dma_start3A_216 : memref<1x128x128xf32, #tpu.memory_space<vmem>> -> memref<128x128xf32, #tpu.memory_space<vmem>>
        tpu.enqueue_dma source(%dma_start3A_217 : memref<128x128xf32, #tpu.memory_space<vmem>>) target(%dma_start3A_213 : memref<128x128xf32, #tpu.memory_space<hbm>>) target_semaphore(%arg15 : memref<!tpu.dma_semaphore, #tpu.memory_space<semaphore_mem>>)
        %ge3A = arith.constant 1 : i32
        %ge3A_218 = arith.cmpi sge, %add3A_175, %ge3A : i32
        %convert_element_type3A_219 = arith.extui %ge3A_218 : i1 to i32
        %cond3A_220 = arith.constant 0 : i32
        %cond3A_221 = arith.cmpi ne, %convert_element_type3A_219, %cond3A_220 : i32
        scf.if %cond3A_221 {
          %dma_wait3A_222 = arith.constant 1 : i32
          %dma_wait3A_223 = arith.constant 0 : i32
          %dma_wait3A_224 = arith.constant 0 : i32
          %dma_wait3A_225 = tpu.memref_slice %arg8[%dma_wait3A_222, %dma_wait3A_223, %dma_wait3A_224] : memref<4x128x128xf32, #tpu.memory_space<vmem>> -> memref<1x128x128xf32, #tpu.memory_space<vmem>>
          %dma_wait3A_226 = tpu.memref_squeeze %dma_wait3A_225 : memref<1x128x128xf32, #tpu.memory_space<vmem>> -> memref<128x128xf32, #tpu.memory_space<vmem>>
          %dma_wait3A_227 = arith.constant 0 : i32
          %dma_wait3A_228 = arith.constant 0 : i32
          %dma_wait3A_229 = tpu.memref_slice %arg4[%dma_wait3A_227, %dma_wait3A_228] : memref<100000x128xf32, #tpu.memory_space<hbm>> -> memref<128x128xf32, #tpu.memory_space<hbm>>
          %dma_wait3A_230 = arith.constant 0 : i32
          %dma_wait3A_231 = arith.constant 0 : i32
          %dma_wait3A_232 = tpu.memref_slice %arg4[%dma_wait3A_230, %dma_wait3A_231] : memref<100000x128xf32, #tpu.memory_space<hbm>> -> memref<128x128xf32, #tpu.memory_space<hbm>>
          %dma_wait3A_233 = arith.constant 0 : i32
          %dma_wait3A_234 = arith.constant 0 : i32
          %dma_wait3A_235 = tpu.memref_slice %arg8[%dma_wait3A_222, %dma_wait3A_233, %dma_wait3A_234] : memref<4x128x128xf32, #tpu.memory_space<vmem>> -> memref<1x128x128xf32, #tpu.memory_space<vmem>>
          %dma_wait3A_236 = tpu.memref_squeeze %dma_wait3A_235 : memref<1x128x128xf32, #tpu.memory_space<vmem>> -> memref<128x128xf32, #tpu.memory_space<vmem>>
          tpu.wait_dma2 semaphore(%arg14 : memref<!tpu.dma_semaphore, #tpu.memory_space<semaphore_mem>>) src(%dma_wait3A_236 : memref<128x128xf32, #tpu.memory_space<vmem>>) dst(%dma_wait3A_232 : memref<128x128xf32, #tpu.memory_space<hbm>>)
          %sub3A_237 = arith.constant 1 : i32
          %sub3A_238 = arith.subi %add3A_175, %sub3A_237 : i32
          %add3A_239 = arith.constant 4 : i32
          %add3A_240 = arith.addi %sub3A_238, %add3A_239 : i32
          %lt3A_241 = arith.cmpi slt, %add3A_240, %add3A_9 : i32
          %convert_element_type3A_242 = arith.extui %lt3A_241 : i1 to i32
          %cond3A_243 = arith.constant 0 : i32
          %cond3A_244 = arith.cmpi ne, %convert_element_type3A_242, %cond3A_243 : i32
          scf.if %cond3A_244 {
            %mul3A_245 = arith.constant 128 : i32
            %mul3A_246 = arith.muli %add3A_240, %mul3A_245 : i32
            %add3A_247 = arith.addi %select_n3A, %mul3A_246 : i32
            %dma_start3A_248 = arith.constant 1 : i32
            %dma_start3A_249 = arith.constant 0 : i32
            %dma_start3A_250 = arith.constant 0 : i32
            %dma_start3A_251 = tpu.memref_slice %arg8[%dma_start3A_248, %dma_start3A_249, %dma_start3A_250] : memref<4x128x128xf32, #tpu.memory_space<vmem>> -> memref<1x128x128xf32, #tpu.memory_space<vmem>>
            %dma_start3A_252 = tpu.memref_squeeze %dma_start3A_251 : memref<1x128x128xf32, #tpu.memory_space<vmem>> -> memref<128x128xf32, #tpu.memory_space<vmem>>
            %dma_start3A_253 = tpu.memref_slice %arg5[%add3A_247] : memref<3200xi32, #tpu.memory_space<vmem>> -> memref<128xi32, #tpu.memory_space<vmem>>
            %dma_start3A_254 = arith.constant 0 : i32
            %dma_start3A_255 = arith.constant 0 : i32
            %dma_start3A_256 = tpu.memref_slice %arg7[%dma_start3A_254, %dma_start3A_255] : memref<89x128xf32, #tpu.memory_space<vmem_shared>> -> memref<89x128xf32, #tpu.memory_space<vmem_shared>>
            tpu.enqueue_indirect_dma source(%dma_start3A_256 : memref<89x128xf32, #tpu.memory_space<vmem_shared>>) target(%dma_start3A_252 : memref<128x128xf32, #tpu.memory_space<vmem>>) offsets(%dma_start3A_253 : memref<128xi32, #tpu.memory_space<vmem>>) semaphore(%arg10 : memref<!tpu.dma_semaphore, #tpu.memory_space<semaphore_mem>>)
          } else {
          }
        } else {
        }
      } else {
      }
      %mul3A_180 = arith.constant 4 : i32
      %mul3A_181 = arith.muli %scan3A_155, %mul3A_180 : i32
      %add3A_182 = arith.constant 3 : i32
      %add3A_183 = arith.addi %mul3A_181, %add3A_182 : i32
      %lt3A_184 = arith.cmpi slt, %add3A_183, %add3A_9 : i32
      %convert_element_type3A_185 = arith.extui %lt3A_184 : i1 to i32
      %cond3A_186 = arith.constant 0 : i32
      %cond3A_187 = arith.cmpi ne, %convert_element_type3A_185, %cond3A_186 : i32
      scf.if %cond3A_187 {
        %dma_wait3A = arith.constant 3 : i32
        %dma_wait3A_188 = arith.constant 0 : i32
        %dma_wait3A_189 = arith.constant 0 : i32
        %dma_wait3A_190 = tpu.memref_slice %arg8[%dma_wait3A, %dma_wait3A_188, %dma_wait3A_189] : memref<4x128x128xf32, #tpu.memory_space<vmem>> -> memref<1x128x128xf32, #tpu.memory_space<vmem>>
        %dma_wait3A_191 = tpu.memref_squeeze %dma_wait3A_190 : memref<1x128x128xf32, #tpu.memory_space<vmem>> -> memref<128x128xf32, #tpu.memory_space<vmem>>
        %dma_wait3A_192 = arith.constant 0 : i32
        %dma_wait3A_193 = arith.constant 0 : i32
        %dma_wait3A_194 = tpu.memref_slice %arg4[%dma_wait3A_192, %dma_wait3A_193] : memref<100000x128xf32, #tpu.memory_space<hbm>> -> memref<128x128xf32, #tpu.memory_space<hbm>>
        %dma_wait3A_195 = arith.constant 0 : i32
        %dma_wait3A_196 = arith.constant 0 : i32
        %dma_wait3A_197 = tpu.memref_slice %arg8[%dma_wait3A, %dma_wait3A_195, %dma_wait3A_196] : memref<4x128x128xf32, #tpu.memory_space<vmem>> -> memref<1x128x128xf32, #tpu.memory_space<vmem>>
        %dma_wait3A_198 = tpu.memref_squeeze %dma_wait3A_197 : memref<1x128x128xf32, #tpu.memory_space<vmem>> -> memref<128x128xf32, #tpu.memory_space<vmem>>
        %dma_wait3A_199 = arith.constant 0 : i32
        %dma_wait3A_200 = arith.constant 0 : i32
        %dma_wait3A_201 = tpu.memref_slice %arg4[%dma_wait3A_199, %dma_wait3A_200] : memref<100000x128xf32, #tpu.memory_space<hbm>> -> memref<128x128xf32, #tpu.memory_space<hbm>>
        tpu.wait_dma2 semaphore(%arg12 : memref<!tpu.dma_semaphore, #tpu.memory_space<semaphore_mem>>) src(%dma_wait3A_201 : memref<128x128xf32, #tpu.memory_space<hbm>>) dst(%dma_wait3A_198 : memref<128x128xf32, #tpu.memory_space<vmem>>)
        %add3A_202 = arith.addi %add3A_4, %add3A_183 : i32
        %mul3A_203 = arith.constant 128 : i32
        %mul3A_204 = arith.muli %add3A_202, %mul3A_203 : i32
        %dma_start3A_205 = arith.constant 3 : i32
        %dma_start3A_206 = arith.constant 0 : i32
        %dma_start3A_207 = arith.constant 0 : i32
        %dma_start3A_208 = tpu.memref_slice %arg8[%dma_start3A_205, %dma_start3A_206, %dma_start3A_207] : memref<4x128x128xf32, #tpu.memory_space<vmem>> -> memref<1x128x128xf32, #tpu.memory_space<vmem>>
        %dma_start3A_209 = tpu.memref_squeeze %dma_start3A_208 : memref<1x128x128xf32, #tpu.memory_space<vmem>> -> memref<128x128xf32, #tpu.memory_space<vmem>>
        %dma_start3A_210 = arith.constant 0 : i32
        %dma_start3A_211 = tpu.memref_slice %arg4[%mul3A_204, %dma_start3A_210] : memref<100000x128xf32, #tpu.memory_space<hbm>> -> memref<128x128xf32, #tpu.memory_space<hbm>>
        %dma_start3A_212 = arith.constant 0 : i32
        %dma_start3A_213 = tpu.memref_slice %arg4[%mul3A_204, %dma_start3A_212] : memref<100000x128xf32, #tpu.memory_space<hbm>> -> memref<128x128xf32, #tpu.memory_space<hbm>>
        %dma_start3A_214 = arith.constant 0 : i32
        %dma_start3A_215 = arith.constant 0 : i32
        %dma_start3A_216 = tpu.memref_slice %arg8[%dma_start3A_205, %dma_start3A_214, %dma_start3A_215] : memref<4x128x128xf32, #tpu.memory_space<vmem>> -> memref<1x128x128xf32, #tpu.memory_space<vmem>>
        %dma_start3A_217 = tpu.memref_squeeze %dma_start3A_216 : memref<1x128x128xf32, #tpu.memory_space<vmem>> -> memref<128x128xf32, #tpu.memory_space<vmem>>
        tpu.enqueue_dma source(%dma_start3A_217 : memref<128x128xf32, #tpu.memory_space<vmem>>) target(%dma_start3A_213 : memref<128x128xf32, #tpu.memory_space<hbm>>) target_semaphore(%arg16 : memref<!tpu.dma_semaphore, #tpu.memory_space<semaphore_mem>>)
        %ge3A = arith.constant 1 : i32
        %ge3A_218 = arith.cmpi sge, %add3A_183, %ge3A : i32
        %convert_element_type3A_219 = arith.extui %ge3A_218 : i1 to i32
        %cond3A_220 = arith.constant 0 : i32
        %cond3A_221 = arith.cmpi ne, %convert_element_type3A_219, %cond3A_220 : i32
        scf.if %cond3A_221 {
          %dma_wait3A_222 = arith.constant 2 : i32
          %dma_wait3A_223 = arith.constant 0 : i32
          %dma_wait3A_224 = arith.constant 0 : i32
          %dma_wait3A_225 = tpu.memref_slice %arg8[%dma_wait3A_222, %dma_wait3A_223, %dma_wait3A_224] : memref<4x128x128xf32, #tpu.memory_space<vmem>> -> memref<1x128x128xf32, #tpu.memory_space<vmem>>
          %dma_wait3A_226 = tpu.memref_squeeze %dma_wait3A_225 : memref<1x128x128xf32, #tpu.memory_space<vmem>> -> memref<128x128xf32, #tpu.memory_space<vmem>>
          %dma_wait3A_227 = arith.constant 0 : i32
          %dma_wait3A_228 = arith.constant 0 : i32
          %dma_wait3A_229 = tpu.memref_slice %arg4[%dma_wait3A_227, %dma_wait3A_228] : memref<100000x128xf32, #tpu.memory_space<hbm>> -> memref<128x128xf32, #tpu.memory_space<hbm>>
          %dma_wait3A_230 = arith.constant 0 : i32
          %dma_wait3A_231 = arith.constant 0 : i32
          %dma_wait3A_232 = tpu.memref_slice %arg4[%dma_wait3A_230, %dma_wait3A_231] : memref<100000x128xf32, #tpu.memory_space<hbm>> -> memref<128x128xf32, #tpu.memory_space<hbm>>
          %dma_wait3A_233 = arith.constant 0 : i32
          %dma_wait3A_234 = arith.constant 0 : i32
          %dma_wait3A_235 = tpu.memref_slice %arg8[%dma_wait3A_222, %dma_wait3A_233, %dma_wait3A_234] : memref<4x128x128xf32, #tpu.memory_space<vmem>> -> memref<1x128x128xf32, #tpu.memory_space<vmem>>
          %dma_wait3A_236 = tpu.memref_squeeze %dma_wait3A_235 : memref<1x128x128xf32, #tpu.memory_space<vmem>> -> memref<128x128xf32, #tpu.memory_space<vmem>>
          tpu.wait_dma2 semaphore(%arg15 : memref<!tpu.dma_semaphore, #tpu.memory_space<semaphore_mem>>) src(%dma_wait3A_236 : memref<128x128xf32, #tpu.memory_space<vmem>>) dst(%dma_wait3A_232 : memref<128x128xf32, #tpu.memory_space<hbm>>)
          %sub3A_237 = arith.constant 1 : i32
          %sub3A_238 = arith.subi %add3A_183, %sub3A_237 : i32
          %add3A_239 = arith.constant 4 : i32
          %add3A_240 = arith.addi %sub3A_238, %add3A_239 : i32
          %lt3A_241 = arith.cmpi slt, %add3A_240, %add3A_9 : i32
          %convert_element_type3A_242 = arith.extui %lt3A_241 : i1 to i32
          %cond3A_243 = arith.constant 0 : i32
          %cond3A_244 = arith.cmpi ne, %convert_element_type3A_242, %cond3A_243 : i32
          scf.if %cond3A_244 {
            %mul3A_245 = arith.constant 128 : i32
            %mul3A_246 = arith.muli %add3A_240, %mul3A_245 : i32
            %add3A_247 = arith.addi %select_n3A, %mul3A_246 : i32
            %dma_start3A_248 = arith.constant 2 : i32
            %dma_start3A_249 = arith.constant 0 : i32
            %dma_start3A_250 = arith.constant 0 : i32
            %dma_start3A_251 = tpu.memref_slice %arg8[%dma_start3A_248, %dma_start3A_249, %dma_start3A_250] : memref<4x128x128xf32, #tpu.memory_space<vmem>> -> memref<1x128x128xf32, #tpu.memory_space<vmem>>
            %dma_start3A_252 = tpu.memref_squeeze %dma_start3A_251 : memref<1x128x128xf32, #tpu.memory_space<vmem>> -> memref<128x128xf32, #tpu.memory_space<vmem>>
            %dma_start3A_253 = tpu.memref_slice %arg5[%add3A_247] : memref<3200xi32, #tpu.memory_space<vmem>> -> memref<128xi32, #tpu.memory_space<vmem>>
            %dma_start3A_254 = arith.constant 0 : i32
            %dma_start3A_255 = arith.constant 0 : i32
            %dma_start3A_256 = tpu.memref_slice %arg7[%dma_start3A_254, %dma_start3A_255] : memref<89x128xf32, #tpu.memory_space<vmem_shared>> -> memref<89x128xf32, #tpu.memory_space<vmem_shared>>
            tpu.enqueue_indirect_dma source(%dma_start3A_256 : memref<89x128xf32, #tpu.memory_space<vmem_shared>>) target(%dma_start3A_252 : memref<128x128xf32, #tpu.memory_space<vmem>>) offsets(%dma_start3A_253 : memref<128xi32, #tpu.memory_space<vmem>>) semaphore(%arg11 : memref<!tpu.dma_semaphore, #tpu.memory_space<semaphore_mem>>)
          } else {
          }
        } else {
        }
      } else {
      }
    }
    %scan3A_68 = arith.constant 7 : i32
    %sub3A_69 = arith.constant 1 : i32
    %sub3A_70 = arith.subi %add3A_9, %sub3A_69 : i32
    %jit3A_71 = arith.constant 4 : i32
    %eq3A_72 = arith.constant 0 : i32
    %eq3A_73 = arith.cmpi eq, %jit3A_71, %eq3A_72 : i32
    %jit3A_74 = arith.constant 1 : i32
    %select_n3A_75 = arith.select %eq3A_73, %jit3A_74, %jit3A_71 : i32
    %rem3A = arith.remsi %sub3A_70, %select_n3A_75 : i32
    %ne3A = arith.constant 0 : i32
    %ne3A_76 = arith.cmpi ne, %rem3A, %ne3A : i32
    %lt3A_77 = arith.constant 0 : i32
    %lt3A_78 = arith.cmpi slt, %rem3A, %lt3A_77 : i32
    %lt3A_79 = arith.constant 0 : i32
    %lt3A_80 = arith.cmpi slt, %select_n3A_75, %lt3A_79 : i32
    %ne3A_81 = arith.xori %lt3A_78, %lt3A_80 : i1
    %and3A = arith.andi %ne3A_81, %ne3A_76 : i1
    %add3A_82 = arith.addi %rem3A, %select_n3A_75 : i32
    %select_n3A_83 = arith.select %and3A, %add3A_82, %rem3A : i32
    %eq3A_84 = arith.constant 0 : i32
    %eq3A_85 = arith.cmpi eq, %select_n3A_83, %eq3A_84 : i32
    %convert_element_type3A_86 = arith.extui %eq3A_85 : i1 to i32
    %cond3A_87 = arith.constant 0 : i32
    %cond3A_88 = arith.cmpi ne, %convert_element_type3A_86, %cond3A_87 : i32
    scf.if %cond3A_88 {
      %dma_wait3A = arith.constant 0 : i32
      %dma_wait3A_155 = arith.constant 0 : i32
      %dma_wait3A_156 = arith.constant 0 : i32
      %dma_wait3A_157 = tpu.memref_slice %arg8[%dma_wait3A, %dma_wait3A_155, %dma_wait3A_156] : memref<4x128x128xf32, #tpu.memory_space<vmem>> -> memref<1x128x128xf32, #tpu.memory_space<vmem>>
      %dma_wait3A_158 = tpu.memref_squeeze %dma_wait3A_157 : memref<1x128x128xf32, #tpu.memory_space<vmem>> -> memref<128x128xf32, #tpu.memory_space<vmem>>
      %dma_wait3A_159 = arith.constant 0 : i32
      %dma_wait3A_160 = arith.constant 0 : i32
      %dma_wait3A_161 = tpu.memref_slice %arg4[%dma_wait3A_159, %dma_wait3A_160] : memref<100000x128xf32, #tpu.memory_space<hbm>> -> memref<128x128xf32, #tpu.memory_space<hbm>>
      %dma_wait3A_162 = arith.constant 0 : i32
      %dma_wait3A_163 = arith.constant 0 : i32
      %dma_wait3A_164 = tpu.memref_slice %arg4[%dma_wait3A_162, %dma_wait3A_163] : memref<100000x128xf32, #tpu.memory_space<hbm>> -> memref<128x128xf32, #tpu.memory_space<hbm>>
      %dma_wait3A_165 = arith.constant 0 : i32
      %dma_wait3A_166 = arith.constant 0 : i32
      %dma_wait3A_167 = tpu.memref_slice %arg8[%dma_wait3A, %dma_wait3A_165, %dma_wait3A_166] : memref<4x128x128xf32, #tpu.memory_space<vmem>> -> memref<1x128x128xf32, #tpu.memory_space<vmem>>
      %dma_wait3A_168 = tpu.memref_squeeze %dma_wait3A_167 : memref<1x128x128xf32, #tpu.memory_space<vmem>> -> memref<128x128xf32, #tpu.memory_space<vmem>>
      tpu.wait_dma2 semaphore(%arg13 : memref<!tpu.dma_semaphore, #tpu.memory_space<semaphore_mem>>) src(%dma_wait3A_168 : memref<128x128xf32, #tpu.memory_space<vmem>>) dst(%dma_wait3A_164 : memref<128x128xf32, #tpu.memory_space<hbm>>)
    } else {
    }
    %jit3A_89 = arith.constant 4 : i32
    %eq3A_90 = arith.constant 0 : i32
    %eq3A_91 = arith.cmpi eq, %jit3A_89, %eq3A_90 : i32
    %jit3A_92 = arith.constant 1 : i32
    %select_n3A_93 = arith.select %eq3A_91, %jit3A_92, %jit3A_89 : i32
    %rem3A_94 = arith.remsi %sub3A_70, %select_n3A_93 : i32
    %ne3A_95 = arith.constant 0 : i32
    %ne3A_96 = arith.cmpi ne, %rem3A_94, %ne3A_95 : i32
    %lt3A_97 = arith.constant 0 : i32
    %lt3A_98 = arith.cmpi slt, %rem3A_94, %lt3A_97 : i32
    %lt3A_99 = arith.constant 0 : i32
    %lt3A_100 = arith.cmpi slt, %select_n3A_93, %lt3A_99 : i32
    %ne3A_101 = arith.xori %lt3A_98, %lt3A_100 : i1
    %and3A_102 = arith.andi %ne3A_101, %ne3A_96 : i1
    %add3A_103 = arith.addi %rem3A_94, %select_n3A_93 : i32
    %select_n3A_104 = arith.select %and3A_102, %add3A_103, %rem3A_94 : i32
    %eq3A_105 = arith.constant 1 : i32
    %eq3A_106 = arith.cmpi eq, %select_n3A_104, %eq3A_105 : i32
    %convert_element_type3A_107 = arith.extui %eq3A_106 : i1 to i32
    %cond3A_108 = arith.constant 0 : i32
    %cond3A_109 = arith.cmpi ne, %convert_element_type3A_107, %cond3A_108 : i32
    scf.if %cond3A_109 {
      %dma_wait3A = arith.constant 1 : i32
      %dma_wait3A_155 = arith.constant 0 : i32
      %dma_wait3A_156 = arith.constant 0 : i32
      %dma_wait3A_157 = tpu.memref_slice %arg8[%dma_wait3A, %dma_wait3A_155, %dma_wait3A_156] : memref<4x128x128xf32, #tpu.memory_space<vmem>> -> memref<1x128x128xf32, #tpu.memory_space<vmem>>
      %dma_wait3A_158 = tpu.memref_squeeze %dma_wait3A_157 : memref<1x128x128xf32, #tpu.memory_space<vmem>> -> memref<128x128xf32, #tpu.memory_space<vmem>>
      %dma_wait3A_159 = arith.constant 0 : i32
      %dma_wait3A_160 = arith.constant 0 : i32
      %dma_wait3A_161 = tpu.memref_slice %arg4[%dma_wait3A_159, %dma_wait3A_160] : memref<100000x128xf32, #tpu.memory_space<hbm>> -> memref<128x128xf32, #tpu.memory_space<hbm>>
      %dma_wait3A_162 = arith.constant 0 : i32
      %dma_wait3A_163 = arith.constant 0 : i32
      %dma_wait3A_164 = tpu.memref_slice %arg4[%dma_wait3A_162, %dma_wait3A_163] : memref<100000x128xf32, #tpu.memory_space<hbm>> -> memref<128x128xf32, #tpu.memory_space<hbm>>
      %dma_wait3A_165 = arith.constant 0 : i32
      %dma_wait3A_166 = arith.constant 0 : i32
      %dma_wait3A_167 = tpu.memref_slice %arg8[%dma_wait3A, %dma_wait3A_165, %dma_wait3A_166] : memref<4x128x128xf32, #tpu.memory_space<vmem>> -> memref<1x128x128xf32, #tpu.memory_space<vmem>>
      %dma_wait3A_168 = tpu.memref_squeeze %dma_wait3A_167 : memref<1x128x128xf32, #tpu.memory_space<vmem>> -> memref<128x128xf32, #tpu.memory_space<vmem>>
      tpu.wait_dma2 semaphore(%arg14 : memref<!tpu.dma_semaphore, #tpu.memory_space<semaphore_mem>>) src(%dma_wait3A_168 : memref<128x128xf32, #tpu.memory_space<vmem>>) dst(%dma_wait3A_164 : memref<128x128xf32, #tpu.memory_space<hbm>>)
    } else {
    }
    %jit3A_110 = arith.constant 4 : i32
    %eq3A_111 = arith.constant 0 : i32
    %eq3A_112 = arith.cmpi eq, %jit3A_110, %eq3A_111 : i32
    %jit3A_113 = arith.constant 1 : i32
    %select_n3A_114 = arith.select %eq3A_112, %jit3A_113, %jit3A_110 : i32
    %rem3A_115 = arith.remsi %sub3A_70, %select_n3A_114 : i32
    %ne3A_116 = arith.constant 0 : i32
    %ne3A_117 = arith.cmpi ne, %rem3A_115, %ne3A_116 : i32
    %lt3A_118 = arith.constant 0 : i32
    %lt3A_119 = arith.cmpi slt, %rem3A_115, %lt3A_118 : i32
    %lt3A_120 = arith.constant 0 : i32
    %lt3A_121 = arith.cmpi slt, %select_n3A_114, %lt3A_120 : i32
    %ne3A_122 = arith.xori %lt3A_119, %lt3A_121 : i1
    %and3A_123 = arith.andi %ne3A_122, %ne3A_117 : i1
    %add3A_124 = arith.addi %rem3A_115, %select_n3A_114 : i32
    %select_n3A_125 = arith.select %and3A_123, %add3A_124, %rem3A_115 : i32
    %eq3A_126 = arith.constant 2 : i32
    %eq3A_127 = arith.cmpi eq, %select_n3A_125, %eq3A_126 : i32
    %convert_element_type3A_128 = arith.extui %eq3A_127 : i1 to i32
    %cond3A_129 = arith.constant 0 : i32
    %cond3A_130 = arith.cmpi ne, %convert_element_type3A_128, %cond3A_129 : i32
    scf.if %cond3A_130 {
      %dma_wait3A = arith.constant 2 : i32
      %dma_wait3A_155 = arith.constant 0 : i32
      %dma_wait3A_156 = arith.constant 0 : i32
      %dma_wait3A_157 = tpu.memref_slice %arg8[%dma_wait3A, %dma_wait3A_155, %dma_wait3A_156] : memref<4x128x128xf32, #tpu.memory_space<vmem>> -> memref<1x128x128xf32, #tpu.memory_space<vmem>>
      %dma_wait3A_158 = tpu.memref_squeeze %dma_wait3A_157 : memref<1x128x128xf32, #tpu.memory_space<vmem>> -> memref<128x128xf32, #tpu.memory_space<vmem>>
      %dma_wait3A_159 = arith.constant 0 : i32
      %dma_wait3A_160 = arith.constant 0 : i32
      %dma_wait3A_161 = tpu.memref_slice %arg4[%dma_wait3A_159, %dma_wait3A_160] : memref<100000x128xf32, #tpu.memory_space<hbm>> -> memref<128x128xf32, #tpu.memory_space<hbm>>
      %dma_wait3A_162 = arith.constant 0 : i32
      %dma_wait3A_163 = arith.constant 0 : i32
      %dma_wait3A_164 = tpu.memref_slice %arg4[%dma_wait3A_162, %dma_wait3A_163] : memref<100000x128xf32, #tpu.memory_space<hbm>> -> memref<128x128xf32, #tpu.memory_space<hbm>>
      %dma_wait3A_165 = arith.constant 0 : i32
      %dma_wait3A_166 = arith.constant 0 : i32
      %dma_wait3A_167 = tpu.memref_slice %arg8[%dma_wait3A, %dma_wait3A_165, %dma_wait3A_166] : memref<4x128x128xf32, #tpu.memory_space<vmem>> -> memref<1x128x128xf32, #tpu.memory_space<vmem>>
      %dma_wait3A_168 = tpu.memref_squeeze %dma_wait3A_167 : memref<1x128x128xf32, #tpu.memory_space<vmem>> -> memref<128x128xf32, #tpu.memory_space<vmem>>
      tpu.wait_dma2 semaphore(%arg15 : memref<!tpu.dma_semaphore, #tpu.memory_space<semaphore_mem>>) src(%dma_wait3A_168 : memref<128x128xf32, #tpu.memory_space<vmem>>) dst(%dma_wait3A_164 : memref<128x128xf32, #tpu.memory_space<hbm>>)
    } else {
    }
    %jit3A_131 = arith.constant 4 : i32
    %eq3A_132 = arith.constant 0 : i32
    %eq3A_133 = arith.cmpi eq, %jit3A_131, %eq3A_132 : i32
    %jit3A_134 = arith.constant 1 : i32
    %select_n3A_135 = arith.select %eq3A_133, %jit3A_134, %jit3A_131 : i32
    %rem3A_136 = arith.remsi %sub3A_70, %select_n3A_135 : i32
    %ne3A_137 = arith.constant 0 : i32
    %ne3A_138 = arith.cmpi ne, %rem3A_136, %ne3A_137 : i32
    %lt3A_139 = arith.constant 0 : i32
    %lt3A_140 = arith.cmpi slt, %rem3A_136, %lt3A_139 : i32
    %lt3A_141 = arith.constant 0 : i32
    %lt3A_142 = arith.cmpi slt, %select_n3A_135, %lt3A_141 : i32
    %ne3A_143 = arith.xori %lt3A_140, %lt3A_142 : i1
    %and3A_144 = arith.andi %ne3A_143, %ne3A_138 : i1
    %add3A_145 = arith.addi %rem3A_136, %select_n3A_135 : i32
    %select_n3A_146 = arith.select %and3A_144, %add3A_145, %rem3A_136 : i32
    %eq3A_147 = arith.constant 3 : i32
    %eq3A_148 = arith.cmpi eq, %select_n3A_146, %eq3A_147 : i32
    %convert_element_type3A_149 = arith.extui %eq3A_148 : i1 to i32
    %cond3A_150 = arith.constant 0 : i32
    %cond3A_151 = arith.cmpi ne, %convert_element_type3A_149, %cond3A_150 : i32
    scf.if %cond3A_151 {
      %dma_wait3A = arith.constant 3 : i32
      %dma_wait3A_155 = arith.constant 0 : i32
      %dma_wait3A_156 = arith.constant 0 : i32
      %dma_wait3A_157 = tpu.memref_slice %arg8[%dma_wait3A, %dma_wait3A_155, %dma_wait3A_156] : memref<4x128x128xf32, #tpu.memory_space<vmem>> -> memref<1x128x128xf32, #tpu.memory_space<vmem>>
      %dma_wait3A_158 = tpu.memref_squeeze %dma_wait3A_157 : memref<1x128x128xf32, #tpu.memory_space<vmem>> -> memref<128x128xf32, #tpu.memory_space<vmem>>
      %dma_wait3A_159 = arith.constant 0 : i32
      %dma_wait3A_160 = arith.constant 0 : i32
      %dma_wait3A_161 = tpu.memref_slice %arg4[%dma_wait3A_159, %dma_wait3A_160] : memref<100000x128xf32, #tpu.memory_space<hbm>> -> memref<128x128xf32, #tpu.memory_space<hbm>>
      %dma_wait3A_162 = arith.constant 0 : i32
      %dma_wait3A_163 = arith.constant 0 : i32
      %dma_wait3A_164 = tpu.memref_slice %arg4[%dma_wait3A_162, %dma_wait3A_163] : memref<100000x128xf32, #tpu.memory_space<hbm>> -> memref<128x128xf32, #tpu.memory_space<hbm>>
      %dma_wait3A_165 = arith.constant 0 : i32
      %dma_wait3A_166 = arith.constant 0 : i32
      %dma_wait3A_167 = tpu.memref_slice %arg8[%dma_wait3A, %dma_wait3A_165, %dma_wait3A_166] : memref<4x128x128xf32, #tpu.memory_space<vmem>> -> memref<1x128x128xf32, #tpu.memory_space<vmem>>
      %dma_wait3A_168 = tpu.memref_squeeze %dma_wait3A_167 : memref<1x128x128xf32, #tpu.memory_space<vmem>> -> memref<128x128xf32, #tpu.memory_space<vmem>>
      tpu.wait_dma2 semaphore(%arg16 : memref<!tpu.dma_semaphore, #tpu.memory_space<semaphore_mem>>) src(%dma_wait3A_168 : memref<128x128xf32, #tpu.memory_space<vmem>>) dst(%dma_wait3A_164 : memref<128x128xf32, #tpu.memory_space<hbm>>)
    } else {
    }
    %convert_element_type3A_152 = arith.extui %eq3A_5 : i1 to i32
    %cond3A_153 = arith.constant 0 : i32
    %cond3A_154 = arith.cmpi ne, %convert_element_type3A_152, %cond3A_153 : i32
    scf.if %cond3A_154 {
      %dma_start3A_155 = arith.constant 0 : i32
      %dma_start3A_156 = arith.constant 0 : i32
      %dma_start3A_157 = arith.constant 0 : i32
      %dma_start3A_158 = tpu.memref_slice %arg8[%dma_start3A_155, %dma_start3A_156, %dma_start3A_157] : memref<4x128x128xf32, #tpu.memory_space<vmem>> -> memref<1x128x128xf32, #tpu.memory_space<vmem>>
      %dma_start3A_159 = tpu.memref_squeeze %dma_start3A_158 : memref<1x128x128xf32, #tpu.memory_space<vmem>> -> memref<128x128xf32, #tpu.memory_space<vmem>>
      %dma_start3A_160 = arith.constant 0 : i32
      %dma_start3A_161 = arith.constant 0 : i32
      %dma_start3A_162 = tpu.memref_slice %dma_start3A_159[%dma_start3A_160, %dma_start3A_161] : memref<128x128xf32, #tpu.memory_space<vmem>> -> memref<32x128xf32, #tpu.memory_space<vmem>>
      %dma_start3A_163 = arith.constant 3168 : i32
      %dma_start3A_164 = tpu.memref_slice %arg5[%dma_start3A_163] : memref<3200xi32, #tpu.memory_space<vmem>> -> memref<32xi32, #tpu.memory_space<vmem>>
      %dma_start3A_165 = arith.constant 0 : i32
      %dma_start3A_166 = arith.constant 0 : i32
      %dma_start3A_167 = tpu.memref_slice %arg7[%dma_start3A_165, %dma_start3A_166] : memref<89x128xf32, #tpu.memory_space<vmem_shared>> -> memref<89x128xf32, #tpu.memory_space<vmem_shared>>
      tpu.enqueue_indirect_dma source(%dma_start3A_167 : memref<89x128xf32, #tpu.memory_space<vmem_shared>>) target(%dma_start3A_162 : memref<32x128xf32, #tpu.memory_space<vmem>>) offsets(%dma_start3A_164 : memref<32xi32, #tpu.memory_space<vmem>>) semaphore(%arg17 : memref<!tpu.dma_semaphore, #tpu.memory_space<semaphore_mem>>)
      %dma_wait3A = arith.constant 0 : i32
      %dma_wait3A_168 = arith.constant 0 : i32
      %dma_wait3A_169 = arith.constant 0 : i32
      %dma_wait3A_170 = tpu.memref_slice %arg8[%dma_wait3A, %dma_wait3A_168, %dma_wait3A_169] : memref<4x128x128xf32, #tpu.memory_space<vmem>> -> memref<1x128x128xf32, #tpu.memory_space<vmem>>
      %dma_wait3A_171 = tpu.memref_squeeze %dma_wait3A_170 : memref<1x128x128xf32, #tpu.memory_space<vmem>> -> memref<128x128xf32, #tpu.memory_space<vmem>>
      %dma_wait3A_172 = arith.constant 0 : i32
      %dma_wait3A_173 = arith.constant 0 : i32
      %dma_wait3A_174 = tpu.memref_slice %dma_wait3A_171[%dma_wait3A_172, %dma_wait3A_173] : memref<128x128xf32, #tpu.memory_space<vmem>> -> memref<32x128xf32, #tpu.memory_space<vmem>>
      %dma_wait3A_175 = arith.constant 3168 : i32
      %dma_wait3A_176 = tpu.memref_slice %arg5[%dma_wait3A_175] : memref<3200xi32, #tpu.memory_space<vmem>> -> memref<32xi32, #tpu.memory_space<vmem>>
      %dma_wait3A_177 = arith.constant 0 : i32
      %dma_wait3A_178 = arith.constant 0 : i32
      %dma_wait3A_179 = tpu.memref_slice %arg7[%dma_wait3A_177, %dma_wait3A_178] : memref<89x128xf32, #tpu.memory_space<vmem_shared>> -> memref<89x128xf32, #tpu.memory_space<vmem_shared>>
      tpu.wait_indirect_dma semaphore(%arg17 : memref<!tpu.dma_semaphore, #tpu.memory_space<semaphore_mem>>) src(%dma_wait3A_179 : memref<89x128xf32, #tpu.memory_space<vmem_shared>>) dst(%dma_wait3A_174 : memref<32x128xf32, #tpu.memory_space<vmem>>)
      %run_scoped3A = arith.constant 0 : i32
      "tpu.region"() ({
        %run_scoped3A_180 = tpu.sem_alloc : memref<!tpu.dma_semaphore, #tpu.memory_space<semaphore_mem>>
        %dma_start3A_181 = arith.constant 0 : i32
        %dma_start3A_182 = arith.constant 0 : i32
        %dma_start3A_183 = tpu.memref_slice %arg8[%run_scoped3A, %dma_start3A_181, %dma_start3A_182] : memref<4x128x128xf32, #tpu.memory_space<vmem>> -> memref<1x128x128xf32, #tpu.memory_space<vmem>>
        %dma_start3A_184 = tpu.memref_squeeze %dma_start3A_183 : memref<1x128x128xf32, #tpu.memory_space<vmem>> -> memref<128x128xf32, #tpu.memory_space<vmem>>
        %dma_start3A_185 = arith.constant 0 : i32
        %dma_start3A_186 = arith.constant 0 : i32
        %dma_start3A_187 = tpu.memref_slice %dma_start3A_184[%dma_start3A_185, %dma_start3A_186] : memref<128x128xf32, #tpu.memory_space<vmem>> -> memref<32x128xf32, #tpu.memory_space<vmem>>
        %dma_start3A_188 = arith.constant 99968 : i32
        %dma_start3A_189 = arith.constant 0 : i32
        %dma_start3A_190 = tpu.memref_slice %arg4[%dma_start3A_188, %dma_start3A_189] : memref<100000x128xf32, #tpu.memory_space<hbm>> -> memref<32x128xf32, #tpu.memory_space<hbm>>
        %dma_start3A_191 = arith.constant 99968 : i32
        %dma_start3A_192 = arith.constant 0 : i32
        %dma_start3A_193 = tpu.memref_slice %arg4[%dma_start3A_191, %dma_start3A_192] : memref<100000x128xf32, #tpu.memory_space<hbm>> -> memref<32x128xf32, #tpu.memory_space<hbm>>
        %dma_start3A_194 = arith.constant 0 : i32
        %dma_start3A_195 = arith.constant 0 : i32
        %dma_start3A_196 = tpu.memref_slice %arg8[%run_scoped3A, %dma_start3A_194, %dma_start3A_195] : memref<4x128x128xf32, #tpu.memory_space<vmem>> -> memref<1x128x128xf32, #tpu.memory_space<vmem>>
        %dma_start3A_197 = tpu.memref_squeeze %dma_start3A_196 : memref<1x128x128xf32, #tpu.memory_space<vmem>> -> memref<128x128xf32, #tpu.memory_space<vmem>>
        %dma_start3A_198 = arith.constant 0 : i32
        %dma_start3A_199 = arith.constant 0 : i32
        %dma_start3A_200 = tpu.memref_slice %dma_start3A_197[%dma_start3A_198, %dma_start3A_199] : memref<128x128xf32, #tpu.memory_space<vmem>> -> memref<32x128xf32, #tpu.memory_space<vmem>>
        tpu.enqueue_dma source(%dma_start3A_200 : memref<32x128xf32, #tpu.memory_space<vmem>>) target(%dma_start3A_193 : memref<32x128xf32, #tpu.memory_space<hbm>>) target_semaphore(%run_scoped3A_180 : memref<!tpu.dma_semaphore, #tpu.memory_space<semaphore_mem>>)
        %dma_wait3A_201 = arith.constant 0 : i32
        %dma_wait3A_202 = arith.constant 0 : i32
        %dma_wait3A_203 = tpu.memref_slice %arg8[%run_scoped3A, %dma_wait3A_201, %dma_wait3A_202] : memref<4x128x128xf32, #tpu.memory_space<vmem>> -> memref<1x128x128xf32, #tpu.memory_space<vmem>>
        %dma_wait3A_204 = tpu.memref_squeeze %dma_wait3A_203 : memref<1x128x128xf32, #tpu.memory_space<vmem>> -> memref<128x128xf32, #tpu.memory_space<vmem>>
        %dma_wait3A_205 = arith.constant 0 : i32
        %dma_wait3A_206 = arith.constant 0 : i32
        %dma_wait3A_207 = tpu.memref_slice %dma_wait3A_204[%dma_wait3A_205, %dma_wait3A_206] : memref<128x128xf32, #tpu.memory_space<vmem>> -> memref<32x128xf32, #tpu.memory_space<vmem>>
        %dma_wait3A_208 = arith.constant 99968 : i32
        %dma_wait3A_209 = arith.constant 0 : i32
        %dma_wait3A_210 = tpu.memref_slice %arg4[%dma_wait3A_208, %dma_wait3A_209] : memref<100000x128xf32, #tpu.memory_space<hbm>> -> memref<32x128xf32, #tpu.memory_space<hbm>>
        %dma_wait3A_211 = arith.constant 99968 : i32
        %dma_wait3A_212 = arith.constant 0 : i32
        %dma_wait3A_213 = tpu.memref_slice %arg4[%dma_wait3A_211, %dma_wait3A_212] : memref<100000x128xf32, #tpu.memory_space<hbm>> -> memref<32x128xf32, #tpu.memory_space<hbm>>
        %dma_wait3A_214 = arith.constant 0 : i32
        %dma_wait3A_215 = arith.constant 0 : i32
        %dma_wait3A_216 = tpu.memref_slice %arg8[%run_scoped3A, %dma_wait3A_214, %dma_wait3A_215] : memref<4x128x128xf32, #tpu.memory_space<vmem>> -> memref<1x128x128xf32, #tpu.memory_space<vmem>>
        %dma_wait3A_217 = tpu.memref_squeeze %dma_wait3A_216 : memref<1x128x128xf32, #tpu.memory_space<vmem>> -> memref<128x128xf32, #tpu.memory_space<vmem>>
        %dma_wait3A_218 = arith.constant 0 : i32
        %dma_wait3A_219 = arith.constant 0 : i32
        %dma_wait3A_220 = tpu.memref_slice %dma_wait3A_217[%dma_wait3A_218, %dma_wait3A_219] : memref<128x128xf32, #tpu.memory_space<vmem>> -> memref<32x128xf32, #tpu.memory_space<vmem>>
        tpu.wait_dma2 semaphore(%run_scoped3A_180 : memref<!tpu.dma_semaphore, #tpu.memory_space<semaphore_mem>>) src(%dma_wait3A_220 : memref<32x128xf32, #tpu.memory_space<vmem>>) dst(%dma_wait3A_213 : memref<32x128xf32, #tpu.memory_space<hbm>>)
        tpu.yield
      }) : () -> ()
    } else {
    }
    return
  }
}

</mosaic_0001>

<sc_bundles>
// kernel: kernel.3.cloned.1.call-start
scs
__scs_entry_jumppad:
0x0: {  	(pc) =	sbr.rel $0x88, $3  }
0x1: {  	(tag) =	ssettag $0x0;
	lr =	simm.s32 $0x1  }
0x2: {  	[smem:$0x3F9F] =	sst lr;
	_ =	strace $0xD0000000  }
0x3: {  	_ = 	snop  }
0x4: {  	_ = 	snop  }
0x5: {  	_ = 	snop  }
0x6: {  	_ = 	snop  }
0x7: {  	_ = 	snop  }
__scs_overlays_trampoline_lowered:
0x8: {  	[smem:$0x3FAE] =	sst s0  }
0x9: {  	[smem:$0x3FAF] =	sst s1  }
0xa: {  	[smem:$0x3FB0] =	sst s2  }
0xb: {  	[smem:$0x3FB1] =	sst s3  }
0xc: {  	[smem:$0x3FB2] =	sst s4  }
0xd: {  	[smem:$0x3FB3] =	sst s5  }
0xe: {  	[smem:$0x3FB4] =	sst s6  }
0xf: {  	[smem:$0x3FB5] =	sst s7  }
0x10: {  	[smem:$0x3FB6] =	sst s8  }
0x11: {  	[smem:$0x3FB7] =	sst s9;
	s0 =	simm.s32 @!p0 $0x0  }
0x12: {  	s1 =	sld [smem:$0x3F9D];
	s0 =	simm.s32 @p0 $0x1  }
0x13: {  	[smem:$0x3FB8] =	sst s0;
	s0 =	simm.s32 @!p1 $0x0  }
0x14: {  	s2 =	sld [smem:$0x3F9C];
	s0 =	simm.s32 @p1 $0x1  }
0x15: {  	[smem:$0x3FB9] =	sst s0;
	s0 =	simm.s32 @!p2 $0x0  }
0x16: {  	s3 =	sld [smem:$0x3FDB];
	s0 =	simm.s32 @p2 $0x1  }
0x17: {  	s4 =	simm.s32 $0x1BF5;
	[smem:$0x3FBB] =	sst s0  }
0x18: {  	s0 =	sld [smem:$0x3F9E];
	_ =	swait.ge [sflag:s4], $0x0  }
0x19: {  	s7 =	sld [smem:$0x3F9F]  }
0x1a: {  	s8 =	sadd.s32 $0xFFFFE003, lr  }
0x1b: {  	s9 =	sadd.s32 $0xFFFFFEF7, lr;
	s5 =	simm.s32 $0xFFFFFFFF;
	p2 =	slt.u32 s8, $0xFFFFF086  }
0x1c: {  	p1 =	slt.u32 s9, $0xF7A;
	s5 =	simm.s32 @!p2 $0x0  }
0x1d: {  	s5 =	simm.s32 @p1 $0x1;
	p0 =	seq.s32 s7, s2  }
0x1e: {  	s7 =	smul.u32 @!p0 $0xF7A, s2;
	p2 =	seq.s32 @!p0 s5, $0x0  }
0x1f: {  	s9 =	smul.u32 $0xF7A, s1;
	s8 =	simm.s32 @!p0 $0x1BF5;
	p2 =	por !p2, p0  }
0x20: {  	[sflag:s8] =	ssyncset.s32 @!p0 $0xFFFFF086;
	s6 =	sadd.s32 @!p0 s3, s7;
	s7 =	simm.s32 @!p0 $0x108  }
0x21: {  	s3 =	sadd.s32 s3, s9;
	s6 =	sadd.s32 @!p0 $0x88, s6;
	s7 =	simm.s32 @p2 $0x1082  }
0x22: {  	[simem:s7], [sflag:s8] =	dma.local @!p0 [hbm:s6], $0xF7A  }
0x23: {  	s9 =	sor.u32 $0xD0000000, s2;
	s6 =	simm.s32 $0x108;
	_ =	swait.ge @!p0 [sflag:s8], $0x0  }
0x24: {  	s3 =	sadd.s32 $0x88, s3;
	s6 =	simm.s32 @!p1 $0x1082;
	[sflag:s4] =	ssyncset.s32 $0xFFFFF086  }
0x25: {  	[simem:s6], [sflag:s4] =	dma.local [hbm:s3], $0xF7A  }
0x26: {  	[smem:$0x3F9F] =	sst s1;
	(tag) =	ssettag s2;
	_ =	strace s9  }
0x27: {  	s1 =	sld [smem:$0x3FAF]  }
0x28: {  	s2 =	sld [smem:$0x3FB0]  }
0x29: {  	s4 =	sld [smem:$0x3FB2]  }
0x2a: {  	p0 =	seq.s32 s5, $0x0;
	s5 =	sld [smem:$0x3FB3]  }
0x2b: {  	s6 =	sld [smem:$0x3FB4]  }
0x2c: {  	s7 =	sld [smem:$0x3FB5]  }
0x2d: {  	s3 =	simm.s32 $0x108;
	s8 =	sld [smem:$0x3FB6]  }
0x2e: {  	s3 =	simm.s32 @!p0 $0x1082;
	s9 =	sld [smem:$0x3FB7]  }
0x2f: {  	lr =	sadd.s32 s0, s3;
	s0 =	sld [smem:$0x3FAE]  }
0x30: {  	s3 =	sld [smem:$0x3FB1]  }
0x31: {  	[smem:$0x3FBA] =	sst s10  }
0x32: {  	s10 =	sld [smem:$0x3FB8];
	_ =	sdelay $0x3  }
0x33: {  	p0 =	seq.s32 s10, $0x1;
	s10 =	sld [smem:$0x3FBA];
	_ =	sdelay $0x3  }
0x34: {  	[smem:$0x3FBA] =	sst s10  }
0x35: {  	s10 =	sld [smem:$0x3FB9];
	_ =	sdelay $0x3  }
0x36: {  	p1 =	seq.s32 s10, $0x1;
	s10 =	sld [smem:$0x3FBA];
	_ =	sdelay $0x3  }
0x37: {  	[smem:$0x3FBA] =	sst s10  }
0x38: {  	s10 =	sld [smem:$0x3FBB]  }
0x39: {  	_ = 	snop;
	(pc) =	sbr.ind lr, $3  }
0x3a: {  	_ = 	snop  }
0x3b: {  	_ = 	snop  }
0x3c: {  	p2 =	seq.s32 s10, $0x1;
	s10 =	sld [smem:$0x3FBA]  }
0x3d: {  	_ =	shalt  }
0x3e: {  	_ =	shalt  }
0x3f: {  	_ =	shalt  }
0x40: {  	_ =	shalt  }
0x41: {  	_ =	shalt  }
0x42: {  	_ =	shalt  }
0x43: {  	_ =	shalt  }
0x44: {  	_ =	shalt  }
0x45: {  	_ =	shalt  }
0x46: {  	_ =	shalt  }
0x47: {  	_ =	shalt  }
0x48: {  	_ =	shalt  }
0x49: {  	_ =	shalt  }
0x4a: {  	_ =	shalt  }
0x4b: {  	_ =	shalt  }
0x4c: {  	_ =	shalt  }
0x4d: {  	_ =	shalt  }
0x4e: {  	_ =	shalt  }
0x4f: {  	_ =	shalt  }
0x50: {  	_ =	shalt  }
0x51: {  	_ =	shalt  }
0x52: {  	_ =	shalt  }
0x53: {  	_ =	shalt  }
0x54: {  	_ =	shalt  }
0x55: {  	_ =	shalt  }
0x56: {  	_ =	shalt  }
0x57: {  	_ =	shalt  }
0x58: {  	_ =	shalt  }
0x59: {  	_ =	shalt  }
0x5a: {  	_ =	shalt  }
0x5b: {  	_ =	shalt  }
0x5c: {  	_ =	shalt  }
0x5d: {  	_ =	shalt  }
0x5e: {  	_ =	shalt  }
0x5f: {  	_ =	shalt  }
0x60: {  	_ =	shalt  }
0x61: {  	_ =	shalt  }
0x62: {  	_ =	shalt  }
0x63: {  	_ =	shalt  }
0x64: {  	_ =	shalt  }
0x65: {  	_ =	shalt  }
0x66: {  	_ =	shalt  }
0x67: {  	_ =	shalt  }
0x68: {  	_ =	shalt  }
0x69: {  	_ =	shalt  }
0x6a: {  	_ =	shalt  }
0x6b: {  	_ =	shalt  }
0x6c: {  	_ =	shalt  }
0x6d: {  	_ =	shalt  }
0x6e: {  	_ =	shalt  }
0x6f: {  	_ =	shalt  }
0x70: {  	_ =	shalt  }
0x71: {  	_ =	shalt  }
0x72: {  	_ =	shalt  }
0x73: {  	_ =	shalt  }
0x74: {  	_ =	shalt  }
0x75: {  	_ =	shalt  }
0x76: {  	_ =	shalt  }
0x77: {  	_ =	shalt  }
0x78: {  	_ =	shalt  }
0x79: {  	_ =	shalt  }
0x7a: {  	_ =	shalt  }
0x7b: {  	_ =	shalt  }
0x7c: {  	_ =	shalt  }
0x7d: {  	_ =	shalt  }
0x7e: {  	_ =	shalt  }
0x7f: {  	_ =	shalt  }
0x80: {  	_ =	shalt  }
0x81: {  	_ =	shalt  }
0x82: {  	_ =	shalt  }
0x83: {  	_ =	shalt  }
0x84: {  	_ =	shalt  }
0x85: {  	_ =	shalt  }
0x86: {  	_ =	shalt  }
0x87: {  	_ =	shalt  }
.Lfunc_end0:
.L_simem_size_0:
called_computation_lowered:
.L_overlay_start_0:
0x88: {  	s2 =	sld [smem:$0x3FD9]  }
0x89: {  	s3 =	sld [smem:$0x3FFE];
	_ =	sdelay $0x1  }
0x8a: {  	s1 =	srdreg.scid  }
0x8b: {  	s0 =	sand.u32 $0x1, s1  }
0x8c: {  	s18 =	sshll.u32 s0, $0xA;
	s2 =	sadd.s32 s3, s2  }
0x8d: {  	s2 =	sadd.s32 s2, s18  }
0x8e: {  	[smem:$0x3FC6] =	sst s2  }
0x8f: {  	_ = 	snop  }
0x90: {  	s2 =	sld [smem:$0x3FC9]  }
0x91: {  	s19 =	sld [smem:$0x3FC8]  }
0x92: {  	s4 =	sld [smem:$0x3FD0];
	(tm) =	ssettm $0x1  }
0x93: {  	s5 =	sld [smem:$0x3FFB];
	_ =	sdelay $0x3  }
0x94: {  	_ =	strace s5  }
0x95: {  	s5 =	sld [smem:$0x3FFC];
	_ =	sdelay $0x3  }
0x96: {  	_ =	strace s5  }
0x97: {  	s5 =	sld [smem:$0x3FFD];
	_ =	sdelay $0x3  }
0x98: {  	_ =	strace s5  }
0x99: {  	_ =	strace $0x8FFFFFFF  }
0x9a: {  	s20 =	sld [smem:$0x3FDB];
	_ =	sdelay $0x1  }
0x9b: {  	s6 =	simm.s32 $_scs_section_size  }
0x9c: {  	s7 =	simm.s32 $_size__tile_overlayer_lowered;
	s8 =	simm.s32 $_tile_overlayer_lowered  }
0x9d: {  	s23 =	simm.s32 $0x1BFF;
	s22 =	sshll.u32 s8, $0x1;
	s5 =	sadd.s32 s6, s20  }
0x9e: {  	s9 =	simm.s32 $0x0;
	s21 =	sshll.u32 s7, $0x1;
	s7 =	sadd.s32 s22, s5  }
0x9f: {  	[timem:s9], [sflag:s23] =	dma.local [hbm:s7], s21  }
0xa0: {  	_ =	swait.ge [sflag:s23], s21  }
0xa1: {  	s6 =	ssub.s32 $0x0, s21;
	[sflag:s23] =	ssyncset.done $0x0  }
0xa2: {  	[sflag:s23] =	ssyncadd.s32 s6;
	_ =	sdelay $0x1  }
0xa3: {  	s24 =	simm.s32 $0x1B8B  }
0xa4: {  	_ =	swait.ge [sflag:s24], $0x1  }
0xa5: {  	[sflag:s24] =	ssyncset.done $0x0  }
0xa6: {  	s25 =	simm.s32 $0x1B8E;
	[sflag:s24] =	ssyncadd.s32 $0xFFFFFFFF  }
0xa7: {  	s26 =	simm.s32 $execute0_lowered;
	[smem:$0x3FD2] =	sst s25  }
0xa8: {  	s6 =	sshll.u32 s26, $0x1;
	_ =	strace $0x80000046;
	[dreg:$0x1] =	wrdreg $0xFFFFFFFF  }
0xa9: {  	s28 =	simm.s32 $_size_execute0_lowered;
	s5 =	sadd.s32 s5, s6;
	[dreg:$0x0] =	wrdreg $0x0  }
0xaa: {  	s6 =	sshll.u32 s28, $0x1;
	[dreg:$0x2] =	wrdreg s5  }
0xab: {  	[dreg:$0x3] =	wrdreg s6  }
0xac: {  	[dreg:$0x4] =	wrdreg $0xC0  }
0xad: {  	_ =	task [dreg:s9], $0x5FFFF  }
0xae: {  	[dreg:$0x1] =	wrdreg $0xFFFFFFFF  }
0xaf: {  	[dreg:$0x0] =	wrdreg $0x60  }
0xb0: {  	[dreg:$0x2] =	wrdreg s2  }
0xb1: {  	[dreg:$0x3] =	wrdreg s19  }
0xb2: {  	[dreg:$0x4] =	wrdreg s4  }
0xb3: {  	[dreg:$0x5] =	wrdreg $0x10800  }
0xb4: {  	[dreg:$0x6] =	wrdreg $0x9  }
0xb5: {  	_ =	task.clear_ibuf [dreg:s9], $0x7FFFF;
	_ =	strace $0x90000046  }
0xb6: {  	s29 =	simm.s32 $0x9;
	_ =	strace $0x80000048  }
0xb7: {  	_ =	swait.ge [sflag:s29], $0x1  }
0xb8: {  	[sflag:s29] =	ssyncadd.s32 $0xFFFFFFFF  }
0xb9: {  	_ =	strace $0x90000048  }
0xba: {  	_ =	sfence  }
0xbb: {  	s30 =	sld [smem:$0x0];
	_ =	sdelay $0x2  }
0xbc: {  	s31 =	sshll.u32 s1, $0xD;
	s1 =	sshrl.u32 s1, $0x2  }
0xbd: {  	s3 =	sand.u32 $0x4000, s31;
	s1 =	sadd.s32 s1, s30  }
0xbe: {  	s0 =	sor.u32 s3, s0;
	s1 =	sshll.u32 s1, $0x11  }
0xbf: {  	s0 =	sor.u32 s1, s0  }
0xc0: {  	s0 =	sadd.s32 $0x8F2B, s0  }
0xc1: {  	[sflag:s0] =	ssyncadd.remote.s32 $0x1  }
0xc2: {  	_ =	sfence.sel $0xFFFF  }
0xc3: {  	[dreg:$0x0] =	wrdreg $0xFFFFFFFF;
	(pc) =	sbr.abs _section_cstart, $3  }
0xc4: {  	[dreg:$0x1] =	wrdreg $0xFFFFFFFF  }
0xc5: {  	_ =	task.clear_ibuf [dreg:s9], $0x2FFFF;
	_ =	strace $0x9FFFFFFF  }
0xc6: {  	(tm) =	ssettm $0x7FFFFFFF  }
0xc7: {  	_ =	shalt  }
tec
execute0_lowered:
.L_overlay_start_1:
0x0: {  	(tag) =	ssettag $0x1  }
0x1: {  	s0 =	rddreg [dreg:$0x0]  }
0x2: {  	s1 =	rddreg [dreg:$0x1]  }
0x3: {  	s6 =	rddreg [dreg:$0x2]  }
0x4: {  	s2 =	rddreg [dreg:$0x3]  }
0x5: {  	s3 =	srdreg.scid;
	s20 =	stileid.u32;
	s21 =	simm.s32 $0xA  }
0x6: {  	s22 =	simm.s32 $0x80;
	s28 =	simm.s32 $0x0;
	s7 =	sand.u32 $0x1, s3  }
0x7: {  	s3 =	simm.s32 $0x0;
	s5 =	sshll.u32 s20, $0x1;
	s11 =	smul.u32 $0x30, s20  }
0x8: {  	s12 =	sadd.s32 $0x580, s1;
	s26 =	sshll.u32 s20, $0x7;
	s14 =	sadd.s32 $0x2C00, s2  }
0x9: {  	s30 =	sshll.u32 s20, $0xA;
	s15 =	sadd.s32 $0x186800, s6;
	p3 =	sne.s32 s20, $0xB  }
0xa: {  	s4 =	ssub.s32 $0x2, s7;
	[smem:$0x7FF] =	sst s3;
	s9 =	sor.u32 s7, s5  }
0xb: {  	s5 =	simm.s32 $0x19;
	s7 =	smul.u32 $0x18, s7;
	s1 =	sadd.s32 s1, s26  }
0xc: {  	s8 =	sshrl.u32 s4, $0x1;
	_ =	strace $0x80000047;
	[dreg:$0x5] =	wrdreg s12  }
0xd: {  	s25 =	smul.u32 $0x18, s9;
	s10 =	smin.u32 s9, $0xD;
	[dreg:$0x6] =	wrdreg s14  }
0xe: {  	p0 =	seq.s32 s9, $0x1F;
	[dreg:$0x7] =	wrdreg s1;
	p1 =	sgt.u32 s9, $0xC  }
0xf: {  	s13 =	ssub.s32 s4, s8;
	s4 =	simm.s32 $0x60;
	s7 =	sadd.s32 s7, s11  }
0x10: {  	s4 =	simm.s32 @!p0 $0x0;
	p0 =	slt.u32 s9, $0xD;
	s8 =	sadd.s32 s10, s25  }
0x11: {  	s7 =	sadd.s32 s10, s7;
	s16 =	smax.u32 s13, $0x1;
	s29 =	sshll.u32 s8, $0x7  }
0x12: {  	s5 =	simm.s32 @!p0 $0x18;
	s8 =	sadd.s32 s30, s2;
	s1 =	ssub.s32 s29, s4  }
0x13: {  	s11 =	sor.u32 $0x80, s4;
	s31 =	sshll.u32 s7, $0xB;
	s1 =	sshrl.u32 s1, $0x3  }
0x14: {  	p0 =	sgt.u32 s20, $0xA;
	[dreg:$0x8] =	wrdreg s8;
	s0 =	sadd.s32 s0, s1  }
0x15: {  	s12 =	sor.u32 $0x100, s4;
	[dreg:$0x9] =	wrdreg s0;
	s0 =	simm.s32 @!p0 $0x0  }
0x16: {  	s8 =	sor.u32 $0x180, s4;
	s14 =	sadd.s32 s31, s6;
	s0 =	simm.s32 @p0 $0x1  }
0x17: {  	s17 =	sadd.s32 $0x1800, s14;
	[smem:$0x7FC] =	sst s0;
	s0 =	simm.s32 @!p1 $0x0  }
0x18: {  	s18 =	sadd.s32 $0x1000, s14;
	p0 =	sne.s32 @p1 s9, $0x1F;
	s0 =	simm.s32 @p1 $0x1  }
0x19: {  	s19 =	sadd.s32 $0x800, s14;
	p2 =	por p0, !p1;
	[smem:$0x7FD] =	sst s0  }
.LBB2_1:
0x1a: {  	s0 =	sld [smem:$0x7FC];
	_ =	sdelay $0x2  }
0x1b: {  	p0 =	seq.s32 s0, $0x1  }
.Ltmp0:
0x1c: {  	_ = 	snop;
	(pc) =	sbr.rel @p0 .LBB2_3-.Ltmp0, $1  }
0x1d: {  	_ =	sdelay $0x3  }
0x1e: {  	s0 =	rddreg [dreg:$0x7];
	s1 =	simm.s32 $0xC80  }
0x1f: {  	[tilespmem:s1], [sflag:$0xA] =	stream.linear.gather [hbm4b:s0+s3], $0x400, $0x38;
	[tilespmem:$0x11348] =	vst v63  }
0x20: {  	_ =	swait.ge [sflag:s21], $0x400  }
0x21: {  	[sflag:s21] =	ssyncset.done $0x0  }
0x22: {  	[sflag:s21] =	ssyncadd.s32 $0xFFFFFC00  }
0x23: {  	v0 =	vld [tilespmem:$0xC80]  }
0x24: {  	v1 =	vld [tilespmem:$0xC90]  }
0x25: {  	v2 =	vld [tilespmem:$0xCA0]  }
0x26: {  	v3 =	vld [tilespmem:$0xCB0]  }
0x27: {  	v4 =	vld [tilespmem:$0xCC0]  }
0x28: {  	v5 =	vld [tilespmem:$0xCD0];
	v0 =	vmul.f32 $1.059997900e-01, v0  }
0x29: {  	v6 =	vld [tilespmem:$0xCE0];
	v1 =	vmul.f32 $1.059997900e-01, v1  }
0x2a: {  	v56 =	vld [tilespmem:$0xCF0];
	v55 =	vmul.f32 $1.059997900e-01, v2;
	[tilespmem:$0xC80] =	vst v0  }
0x2b: {  	v58 =	vld [tilespmem:$0xD00];
	v57 =	vmul.f32 $1.059997900e-01, v3;
	[tilespmem:$0xC90] =	vst v1  }
0x2c: {  	v60 =	vld [tilespmem:$0xD10];
	v59 =	vmul.f32 $1.059997900e-01, v4;
	[tilespmem:$0xCA0] =	vst v55  }
0x2d: {  	v62 =	vld [tilespmem:$0xD20];
	v61 =	vmul.f32 $1.059997900e-01, v5;
	[tilespmem:$0xCB0] =	vst v57  }
0x2e: {  	v9 =	vld [tilespmem:$0xD30];
	v63 =	vmul.f32 $1.059997900e-01, v6;
	[tilespmem:$0xCC0] =	vst v59  }
0x2f: {  	v11 =	vld [tilespmem:$0xD40];
	v10 =	vmul.f32 $1.059997900e-01, v56;
	[tilespmem:$0xCD0] =	vst v61  }
0x30: {  	v13 =	vld [tilespmem:$0xD50];
	v12 =	vmul.f32 $1.059997900e-01, v58;
	[tilespmem:$0xCE0] =	vst v63  }
0x31: {  	v15 =	vld [tilespmem:$0xD60];
	v14 =	vmul.f32 $1.059997900e-01, v60;
	[tilespmem:$0xCF0] =	vst v10  }
0x32: {  	v17 =	vld [tilespmem:$0xD70];
	v16 =	vmul.f32 $1.059997900e-01, v62;
	[tilespmem:$0xD00] =	vst v12  }
0x33: {  	v19 =	vld [tilespmem:$0xD80];
	v18 =	vmul.f32 $1.059997900e-01, v9;
	[tilespmem:$0xD10] =	vst v14  }
0x34: {  	v21 =	vld [tilespmem:$0xD90];
	v20 =	vmul.f32 $1.059997900e-01, v11;
	[tilespmem:$0xD20] =	vst v16  }
0x35: {  	v23 =	vld [tilespmem:$0xDA0];
	v22 =	vmul.f32 $1.059997900e-01, v13;
	[tilespmem:$0xD30] =	vst v18  }
0x36: {  	v25 =	vld [tilespmem:$0xDB0];
	v24 =	vmul.f32 $1.059997900e-01, v15;
	[tilespmem:$0xD40] =	vst v20  }
0x37: {  	v27 =	vld [tilespmem:$0xDC0];
	v26 =	vmul.f32 $1.059997900e-01, v17;
	[tilespmem:$0xD50] =	vst v22  }
0x38: {  	v29 =	vld [tilespmem:$0xDD0];
	v28 =	vmul.f32 $1.059997900e-01, v19;
	[tilespmem:$0xD60] =	vst v24  }
0x39: {  	v31 =	vld [tilespmem:$0xDE0];
	v30 =	vmul.f32 $1.059997900e-01, v21;
	[tilespmem:$0xD70] =	vst v26  }
0x3a: {  	v33 =	vld [tilespmem:$0xDF0];
	v32 =	vmul.f32 $1.059997900e-01, v23;
	[tilespmem:$0xD80] =	vst v28  }
0x3b: {  	v35 =	vld [tilespmem:$0xE00];
	v34 =	vmul.f32 $1.059997900e-01, v25;
	[tilespmem:$0xD90] =	vst v30  }
0x3c: {  	v37 =	vld [tilespmem:$0xE10];
	v36 =	vmul.f32 $1.059997900e-01, v27;
	[tilespmem:$0xDA0] =	vst v32  }
0x3d: {  	v39 =	vld [tilespmem:$0xE20];
	v38 =	vmul.f32 $1.059997900e-01, v29;
	[tilespmem:$0xDB0] =	vst v34  }
0x3e: {  	v41 =	vld [tilespmem:$0xE30];
	v40 =	vmul.f32 $1.059997900e-01, v31;
	[tilespmem:$0xDC0] =	vst v36  }
0x3f: {  	v43 =	vld [tilespmem:$0xE40];
	v42 =	vmul.f32 $1.059997900e-01, v33;
	[tilespmem:$0xDD0] =	vst v38  }
0x40: {  	v45 =	vld [tilespmem:$0xE50];
	v44 =	vmul.f32 $1.059997900e-01, v35;
	[tilespmem:$0xDE0] =	vst v40  }
0x41: {  	v47 =	vld [tilespmem:$0xE60];
	v46 =	vmul.f32 $1.059997900e-01, v37;
	[tilespmem:$0xDF0] =	vst v42  }
0x42: {  	v49 =	vld [tilespmem:$0xE70];
	v48 =	vmul.f32 $1.059997900e-01, v39;
	[tilespmem:$0xE00] =	vst v44  }
0x43: {  	v51 =	vld [tilespmem:$0xE80];
	v50 =	vmul.f32 $1.059997900e-01, v41;
	[tilespmem:$0xE10] =	vst v46  }
0x44: {  	v53 =	vld [tilespmem:$0xE90];
	v52 =	vmul.f32 $1.059997900e-01, v43;
	[tilespmem:$0xE20] =	vst v48  }
0x45: {  	v54 =	vmul.f32 $1.059997900e-01, v45;
	[tilespmem:$0xE30] =	vst v50;
	v55 =	vld [tilespmem:$0xEA0]  }
0x46: {  	v56 =	vmul.f32 $1.059997900e-01, v47;
	[tilespmem:$0xE40] =	vst v52;
	v57 =	vld [tilespmem:$0xEB0]  }
0x47: {  	v58 =	vmul.f32 $1.059997900e-01, v49;
	[tilespmem:$0xE50] =	vst v54;
	v59 =	vld [tilespmem:$0xEC0]  }
0x48: {  	v60 =	vmul.f32 $1.059997900e-01, v51;
	[tilespmem:$0xE60] =	vst v56;
	v61 =	vld [tilespmem:$0xED0]  }
0x49: {  	v62 =	vmul.f32 $1.059997900e-01, v53;
	[tilespmem:$0xE70] =	vst v58;
	v63 =	vld [tilespmem:$0xEE0]  }
0x4a: {  	[tilespmem:$0xE80] =	vst v60;
	v10 =	vld [tilespmem:$0xEF0];
	v9 =	vmul.f32 $1.059997900e-01, v55  }
0x4b: {  	[tilespmem:$0xE90] =	vst v62;
	v12 =	vld [tilespmem:$0xF00];
	v11 =	vmul.f32 $1.059997900e-01, v57  }
0x4c: {  	v14 =	vld [tilespmem:$0xF10];
	v13 =	vmul.f32 $1.059997900e-01, v59;
	[tilespmem:$0xEA0] =	vst v9  }
0x4d: {  	v16 =	vld [tilespmem:$0xF20];
	v15 =	vmul.f32 $1.059997900e-01, v61;
	[tilespmem:$0xEB0] =	vst v11  }
0x4e: {  	v18 =	vld [tilespmem:$0xF30];
	v17 =	vmul.f32 $1.059997900e-01, v63;
	[tilespmem:$0xEC0] =	vst v13  }
0x4f: {  	v20 =	vld [tilespmem:$0xF40];
	v19 =	vmul.f32 $1.059997900e-01, v10;
	[tilespmem:$0xED0] =	vst v15  }
0x50: {  	v22 =	vld [tilespmem:$0xF50];
	v21 =	vmul.f32 $1.059997900e-01, v12;
	[tilespmem:$0xEE0] =	vst v17  }
0x51: {  	v24 =	vld [tilespmem:$0xF60];
	v23 =	vmul.f32 $1.059997900e-01, v14;
	[tilespmem:$0xEF0] =	vst v19  }
0x52: {  	v26 =	vld [tilespmem:$0xF70];
	v25 =	vmul.f32 $1.059997900e-01, v16;
	[tilespmem:$0xF00] =	vst v21  }
0x53: {  	v28 =	vld [tilespmem:$0xF80];
	v27 =	vmul.f32 $1.059997900e-01, v18;
	[tilespmem:$0xF10] =	vst v23  }
0x54: {  	v30 =	vld [tilespmem:$0xF90];
	v29 =	vmul.f32 $1.059997900e-01, v20;
	[tilespmem:$0xF20] =	vst v25  }
0x55: {  	v32 =	vld [tilespmem:$0xFA0];
	v31 =	vmul.f32 $1.059997900e-01, v22;
	[tilespmem:$0xF30] =	vst v27  }
0x56: {  	v34 =	vld [tilespmem:$0xFB0];
	v33 =	vmul.f32 $1.059997900e-01, v24;
	[tilespmem:$0xF40] =	vst v29  }
0x57: {  	v36 =	vld [tilespmem:$0xFC0];
	v35 =	vmul.f32 $1.059997900e-01, v26;
	[tilespmem:$0xF50] =	vst v31  }
0x58: {  	v38 =	vld [tilespmem:$0xFD0];
	v37 =	vmul.f32 $1.059997900e-01, v28;
	[tilespmem:$0xF60] =	vst v33  }
0x59: {  	v40 =	vld [tilespmem:$0xFE0];
	v39 =	vmul.f32 $1.059997900e-01, v30;
	[tilespmem:$0xF70] =	vst v35  }
0x5a: {  	v42 =	vld [tilespmem:$0xFF0];
	v41 =	vmul.f32 $1.059997900e-01, v32;
	[tilespmem:$0xF80] =	vst v37  }
0x5b: {  	v44 =	vld [tilespmem:$0x1000];
	v43 =	vmul.f32 $1.059997900e-01, v34;
	[tilespmem:$0xF90] =	vst v39  }
0x5c: {  	v46 =	vld [tilespmem:$0x1010];
	v45 =	vmul.f32 $1.059997900e-01, v36;
	[tilespmem:$0xFA0] =	vst v41  }
0x5d: {  	v48 =	vld [tilespmem:$0x1020];
	v47 =	vmul.f32 $1.059997900e-01, v38;
	[tilespmem:$0xFB0] =	vst v43  }
0x5e: {  	v50 =	vld [tilespmem:$0x1030];
	v49 =	vmul.f32 $1.059997900e-01, v40;
	[tilespmem:$0xFC0] =	vst v45  }
0x5f: {  	v52 =	vld [tilespmem:$0x1040];
	v51 =	vmul.f32 $1.059997900e-01, v42;
	[tilespmem:$0xFD0] =	vst v47  }
0x60: {  	v54 =	vld [tilespmem:$0x1050];
	v53 =	vmul.f32 $1.059997900e-01, v44;
	[tilespmem:$0xFE0] =	vst v49  }
0x61: {  	v56 =	vld [tilespmem:$0x1060];
	v55 =	vmul.f32 $1.059997900e-01, v46;
	[tilespmem:$0xFF0] =	vst v51  }
0x62: {  	v58 =	vld [tilespmem:$0x1070];
	v57 =	vmul.f32 $1.059997900e-01, v48;
	[tilespmem:$0x1000] =	vst v53  }
0x63: {  	v59 =	vmul.f32 $1.059997900e-01, v50;
	[tilespmem:$0x1010] =	vst v55  }
0x64: {  	v60 =	vmul.f32 $1.059997900e-01, v52;
	[tilespmem:$0x1020] =	vst v57  }
0x65: {  	v61 =	vmul.f32 $1.059997900e-01, v54;
	[tilespmem:$0x1030] =	vst v59  }
0x66: {  	v62 =	vmul.f32 $1.059997900e-01, v56;
	[tilespmem:$0x1040] =	vst v60  }
0x67: {  	v63 =	vmul.f32 $1.059997900e-01, v58;
	[tilespmem:$0x1050] =	vst v61  }
0x68: {  	[tilespmem:$0x1060] =	vst v62  }
.Ltmp1:
0x69: {  	s31 =	rddreg [dreg:$0x8];
	[tilespmem:$0x1070] =	vst v63;
	(pc) =	sbr.rel .LBB2_4-.Ltmp1, $4  }
0x6a: {  	[spmem:s31] =	stream.linear.scatter [tilespmem:s1], [sflag:$0xA], $0x400, $0x38;
	[tilespmem:$0x11348] =	vst v63  }
0x6b: {  	_ =	swait.ge [sflag:s21], $0x400  }
0x6c: {  	[sflag:s21] =	ssyncset.done $0x0  }
0x6d: {  	[sflag:s21] =	ssyncadd.s32 $0xFFFFFC00  }
.LBB2_3:
0x6e: {  	s0 =	simm.s32 @!p3 $0x0;
	s1 =	simm.s32 @!p3 $0xC80;
	s6 =	rddreg [dreg:$0x5]  }
0x6f: {  	[tilespmem:s1], [sflag:$0xA] =	stream.linear.gather @!p3 [hbm4b:s6+s0], $0x80, $0x38;
	[tilespmem:$0x11348] =	vst v63  }
0x70: {  	s0 =	simm.s32 @!p3 $0xA  }
0x71: {  	_ =	swait.ge @!p3 [sflag:s0], $0x80  }
0x72: {  	[sflag:s0] =	ssyncset.done @!p3 $0x0  }
0x73: {  	[sflag:s0] =	ssyncadd.s32 @!p3 $0xFFFFFF80  }
0x74: {  	v0 =	vld @!p3 [tilespmem:$0xC80]  }
0x75: {  	v1 =	vld @!p3 [tilespmem:$0xC90]  }
0x76: {  	v2 =	vld @!p3 [tilespmem:$0xCA0]  }
0x77: {  	v3 =	vld @!p3 [tilespmem:$0xCB0]  }
0x78: {  	v4 =	vld @!p3 [tilespmem:$0xCC0]  }
0x79: {  	v5 =	vld @!p3 [tilespmem:$0xCD0];
	v0 =	vmul.f32 @!p3 $1.059997900e-01, v0  }
0x7a: {  	v6 =	vld @!p3 [tilespmem:$0xCE0];
	v1 =	vmul.f32 @!p3 $1.059997900e-01, v1  }
0x7b: {  	[tilespmem:$0xC80] =	vst @!p3 v0;
	v0 =	vmul.f32 @!p3 $1.059997900e-01, v2;
	v2 =	vld @!p3 [tilespmem:$0xCF0]  }
0x7c: {  	[tilespmem:$0xC90] =	vst @!p3 v1;
	v1 =	vmul.f32 @!p3 $1.059997900e-01, v3  }
0x7d: {  	[tilespmem:$0xCA0] =	vst @!p3 v0;
	v0 =	vmul.f32 @!p3 $1.059997900e-01, v4  }
0x7e: {  	[tilespmem:$0xCB0] =	vst @!p3 v1;
	v1 =	vmul.f32 @!p3 $1.059997900e-01, v5  }
0x7f: {  	[tilespmem:$0xCC0] =	vst @!p3 v0;
	v0 =	vmul.f32 @!p3 $1.059997900e-01, v6  }
0x80: {  	[tilespmem:$0xCD0] =	vst @!p3 v1;
	v1 =	vmul.f32 @!p3 $1.059997900e-01, v2  }
0x81: {  	[tilespmem:$0xCE0] =	vst @!p3 v0  }
0x82: {  	s6 =	rddreg [dreg:$0x6];
	[tilespmem:$0xCF0] =	vst @!p3 v1  }
0x83: {  	[spmem:s6] =	stream.linear.scatter @!p3 [tilespmem:s1], [sflag:$0xA], $0x80, $0x38;
	[tilespmem:$0x11348] =	vst v63  }
0x84: {  	_ =	swait.ge @!p3 [sflag:s0], $0x80  }
0x85: {  	[sflag:s0] =	ssyncset.done @!p3 $0x0  }
0x86: {  	[sflag:s0] =	ssyncadd.s32 @!p3 $0xFFFFFF80  }
.LBB2_4:
0x87: {  	s0 =	rddreg [dreg:$0x9]  }
0x88: {  	[tilespmem:s3], [sflag:$0xA] =	stream.linear.gather [hbm4b:s0+s3], $0xC80, $0x38;
	[tilespmem:$0x11348] =	vst v63  }
0x89: {  	_ =	swait.ge [sflag:s21], $0xC80  }
0x8a: {  	[sflag:s21] =	ssyncset.done $0x0  }
0x8b: {  	[sflag:s21] =	ssyncadd.s32 $0xFFFFF380  }
0x8c: {  	s23 =	simm.s32 $0x1348;
	[bflag:$0x0] =	sbarrier.arrive $0xFFFF  }
0x8d: {  	[tilespmem:s23], [sflag:$0x1] =	stream.indirect.gather [spmem:s2], $0x80, s4, s22, $0xb8;
	[tilespmem:$0x11348] =	vst v63  }
0x8e: {  	s24 =	simm.s32 $0x5348  }
0x8f: {  	[tilespmem:s24], [sflag:$0x2] =	stream.indirect.gather [spmem:s2], $0x80, s11, s22, $0xb8;
	[tilespmem:$0x11348] =	vst v63  }
0x90: {  	s25 =	simm.s32 $0x9348;
	p0 =	sle.u32 s5, $0x0  }
0x91: {  	[tilespmem:s25], [sflag:$0x3] =	stream.indirect.gather [spmem:s2], $0x80, s12, s22, $0xb8;
	[tilespmem:$0x11348] =	vst v63  }
0x92: {  	s26 =	simm.s32 $0xD348;
	s0 =	simm.s32 @!p0 $0x1;
	p4 =	por @!p0 $0x1, $0x1  }
0x93: {  	[tilespmem:s26], [sflag:$0x4] =	stream.indirect.gather [spmem:s2], $0x80, s8, s22, $0xb8;
	[tilespmem:$0x11348] =	vst v63  }
0x94: {  	p5 =	por p4, p0;
	_ =	swait.ge @!p0 [sflag:s0], $0x4000  }
0x95: {  	s1 =	simm.s32 @!p0 $0x1348;
	s6 =	simm.s32 @!p5 $0x8;
	[sflag:s0] =	ssyncset.done @!p0 $0x0  }
0x96: {  	p6 =	sle.u32 @!p5 s5, $0x3;
	[sflag:s0] =	ssyncadd.s32 @!p0 $0xFFFFC000;
	s0 =	simm.s32 @!p0 $0x0  }
0x97: {  	[hbm4b:s14+s0] =	stream.linear.scatter @!p0 [tilespmem:s1], [sflag:$0x5], $0x4000, $0x38;
	[tilespmem:$0x11348] =	vst v63  }
0x98: {  	p4 =	por @!p0 p6, p4;
	_ =	swait.ge @!p5 [sflag:s6], $0x4000  }
0x99: {  	p0 =	por p4, p0;
	p4 =	sle.u32 s5, $0x1;
	[sflag:s6] =	ssyncset.done @!p5 $0x0  }
0x9a: {  	s0 =	simm.s32 @!p0 $0x80;
	s1 =	simm.s32 @!p0 $0xD348;
	[sflag:s6] =	ssyncadd.s32 @!p5 $0xFFFFC000  }
0x9b: {  	[tilespmem:s1], [sflag:$0x4] =	stream.indirect.gather @!p0 [spmem:s2], $0x80, s8, s0, $0xb8;
	[tilespmem:$0x11348] =	vst v63  }
0x9c: {  	s0 =	simm.s32 @!p4 $0x2  }
0x9d: {  	s29 =	simm.s32 $0xA;
	_ =	swait.ge @!p4 [sflag:s0], $0x4000  }
0x9e: {  	s7 =	simm.s32 @!p4 $0x5;
	s6 =	simm.s32 @!p4 $0x5348;
	[sflag:s0] =	ssyncset.done @!p4 $0x0  }
0x9f: {  	s1 =	simm.s32 @!p4 $0x0;
	p0 =	sle.u32 @!p4 s5, $0x4;
	[sflag:s0] =	ssyncadd.s32 @!p4 $0xFFFFC000  }
0xa0: {  	[hbm4b:s19+s1] =	stream.linear.scatter @!p4 [tilespmem:s6], [sflag:$0x6], $0x4000, $0x38;
	[tilespmem:$0x11348] =	vst v63  }
0xa1: {  	p5 =	por p0, p4;
	p0 =	sle.u32 s5, $0x2;
	_ =	swait.ge @!p4 [sflag:s7], $0x4000  }
0xa2: {  	s0 =	simm.s32 @!p5 $0x80;
	s1 =	sadd.s32 @!p5 $0x80, s8;
	[sflag:s7] =	ssyncset.done @!p4 $0x0  }
0xa3: {  	s6 =	simm.s32 @!p5 $0x1348;
	[sflag:s7] =	ssyncadd.s32 @!p4 $0xFFFFC000;
	s7 =	simm.s32 @!p0 $0x3  }
0xa4: {  	[tilespmem:s6], [sflag:$0x1] =	stream.indirect.gather @!p5 [spmem:s2], $0x80, s1, s0, $0xb8;
	[tilespmem:$0x11348] =	vst v63  }
0xa5: {  	s30 =	sadd.s32 $0x2000, s18;
	s31 =	sadd.s32 $0x2000, s19;
	_ =	swait.ge @!p0 [sflag:s7], $0x4000  }
0xa6: {  	p4 =	sle.u32 @!p0 s5, $0x5;
	s0 =	simm.s32 @!p0 $0x0;
	[sflag:s7] =	ssyncset.done @!p0 $0x0  }
0xa7: {  	s1 =	simm.s32 @!p0 $0x9348;
	s6 =	simm.s32 @!p0 $0x6;
	[sflag:s7] =	ssyncadd.s32 @!p0 $0xFFFFC000  }
0xa8: {  	[hbm4b:s18+s0] =	stream.linear.scatter @!p0 [tilespmem:s1], [sflag:$0x7], $0x4000, $0x38;
	[tilespmem:$0x11348] =	vst v63  }
0xa9: {  	p4 =	por p4, p0;
	p5 =	sle.u32 s5, $0x3;
	_ =	swait.ge @!p0 [sflag:s6], $0x4000  }
0xaa: {  	s7 =	simm.s32 @!p5 $0x4;
	s0 =	simm.s32 @!p4 $0x5348;
	[sflag:s6] =	ssyncset.done @!p0 $0x0  }
0xab: {  	s1 =	sadd.s32 @!p4 $0x100, s8;
	[sflag:s6] =	ssyncadd.s32 @!p0 $0xFFFFC000;
	s6 =	simm.s32 @!p4 $0x80  }
0xac: {  	[tilespmem:s0], [sflag:$0x2] =	stream.indirect.gather @!p4 [spmem:s2], $0x80, s1, s6, $0xb8;
	[tilespmem:$0x11348] =	vst v63  }
0xad: {  	s13 =	smov.u32 s8;
	s24 =	simm.s32 @!p5 $0x7;
	_ =	swait.ge @!p5 [sflag:s7], $0x4000  }
0xae: {  	p0 =	sle.u32 @!p5 s5, $0x6;
	s0 =	simm.s32 @!p5 $0x0;
	[sflag:s7] =	ssyncset.done @!p5 $0x0  }
0xaf: {  	s1 =	simm.s32 @!p5 $0xD348;
	s6 =	sadd.s32 $0x2000, s14;
	[sflag:s7] =	ssyncadd.s32 @!p5 $0xFFFFC000  }
0xb0: {  	[hbm4b:s17+s0] =	stream.linear.scatter @!p5 [tilespmem:s1], [sflag:$0x8], $0x4000, $0x38;
	[tilespmem:$0x11348] =	vst v63  }
0xb1: {  	p6 =	por p0, p5;
	s0 =	sadd.s32 $0x2000, s17;
	s1 =	sadd.s32 $0x200, s8  }
.LBB2_5:
0xb2: {  	_ =	swait.ge @!p5 [sflag:s24], $0x4000;
	s9 =	simm.s32 @!p6 $0x80;
	s25 =	simm.s32 @!p6 $0x9348  }
0xb3: {  	s7 =	smov.u32 s29;
	s20 =	smov.u32 s30;
	s23 =	smov.u32 s31  }
0xb4: {  	s26 =	sadd.s32 $0xFFFFFFFA, s29;
	s13 =	sadd.s32 @!p6 $0x180, s13;
	[sflag:s24] =	ssyncset.done @!p5 $0x0  }
0xb5: {  	s29 =	sadd.s32 $0x4, s29;
	p0 =	sge.u32 s26, s5;
	[sflag:s24] =	ssyncadd.s32 @!p5 $0xFFFFC000  }
0xb6: {  	[tilespmem:s25], [sflag:$0x3] =	stream.indirect.gather @!p6 [spmem:s2], $0x80, s13, s9, $0xb8;
	[tilespmem:$0x11348] =	vst v63  }
0xb7: {  	p4 =	sne.s32 s29, $0x22;
	s9 =	simm.s32 @!p0 $0x1;
	p6 =	seq.s32 @!p0 s7, $0x6  }
0xb8: {  	s13 =	simm.s32 @!p0 $0x1348;
	p5 =	por p6, p0;
	_ =	swait.ge @!p0 [sflag:s9], $0x4000  }
0xb9: {  	s24 =	simm.s32 @!p5 $0x8;
	s25 =	sadd.s32 @!p5 $0xFFFFFFFD, s7;
	[sflag:s9] =	ssyncset.done @!p0 $0x0  }
0xba: {  	p1 =	sge.u32 @!p5 s25, s5;
	[sflag:s9] =	ssyncadd.s32 @!p0 $0xFFFFC000;
	s9 =	simm.s32 @!p0 $0x0  }
0xbb: {  	[hbm4b:s6+s9] =	stream.linear.scatter @!p0 [tilespmem:s13], [sflag:$0x5], $0x4000, $0x38;
	[tilespmem:$0x11348] =	vst v63  }
0xbc: {  	p1 =	por @!p0 p1, p6;
	s9 =	smov.u32 s0;
	_ =	swait.ge @!p5 [sflag:s24], $0x4000  }
0xbd: {  	p0 =	por p1, p0;
	s13 =	sadd.s32 $0xFFFFFFFB, s7;
	[sflag:s24] =	ssyncset.done @!p5 $0x0  }
0xbe: {  	s25 =	simm.s32 @!p0 $0xD348;
	[sflag:s24] =	ssyncadd.s32 @!p5 $0xFFFFC000;
	s24 =	simm.s32 @!p0 $0x80  }
0xbf: {  	[tilespmem:s25], [sflag:$0x4] =	stream.indirect.gather @!p0 [spmem:s2], $0x80, s1, s24, $0xb8;
	[tilespmem:$0x11348] =	vst v63  }
0xc0: {  	p5 =	sge.u32 s13, s5;
	s13 =	smov.u32 s1  }
0xc1: {  	s24 =	simm.s32 @!p5 $0x2;
	s25 =	simm.s32 @!p5 $0x0;
	s26 =	simm.s32 @!p5 $0x5348  }
0xc2: {  	s3 =	sadd.s32 @!p5 $0xFFFFFFFE, s7;
	_ =	swait.ge @!p5 [sflag:s24], $0x4000  }
0xc3: {  	s10 =	simm.s32 @!p5 $0x5;
	p0 =	sge.u32 @!p5 s3, s5;
	[sflag:s24] =	ssyncset.done @!p5 $0x0  }
0xc4: {  	s3 =	sadd.s32 $0xFFFFFFFC, s7;
	p0 =	por p0, p5;
	[sflag:s24] =	ssyncadd.s32 @!p5 $0xFFFFC000  }
0xc5: {  	s30 =	sadd.s32 $0x2000, s30;
	s31 =	sadd.s32 $0x2000, s31;
	p6 =	sge.u32 s3, s5  }
0xc6: {  	[hbm4b:s23+s25] =	stream.linear.scatter @!p5 [tilespmem:s26], [sflag:$0x6], $0x4000, $0x38;
	[tilespmem:$0x11348] =	vst v63  }
0xc7: {  	s3 =	simm.s32 @!p0 $0x80;
	s23 =	sadd.s32 @!p6 $0xFFFFFFFF, s7;
	_ =	swait.ge @!p5 [sflag:s10], $0x4000  }
0xc8: {  	s24 =	sadd.s32 @!p0 $0x80, s1;
	s25 =	simm.s32 @!p0 $0x1348;
	[sflag:s10] =	ssyncset.done @!p5 $0x0  }
0xc9: {  	p1 =	sge.u32 @!p6 s23, s5;
	[sflag:s10] =	ssyncadd.s32 @!p5 $0xFFFFC000;
	s10 =	simm.s32 @!p6 $0x3  }
0xca: {  	[tilespmem:s25], [sflag:$0x1] =	stream.indirect.gather @!p0 [spmem:s2], $0x80, s24, s3, $0xb8;
	[tilespmem:$0x11348] =	vst v63  }
0xcb: {  	s0 =	sadd.s32 $0x2000, s0;
	p0 =	por p1, p6;
	_ =	swait.ge @!p6 [sflag:s10], $0x4000  }
0xcc: {  	s23 =	simm.s32 @!p6 $0x9348;
	s3 =	simm.s32 @!p6 $0x0;
	[sflag:s10] =	ssyncset.done @!p6 $0x0  }
0xcd: {  	s1 =	sadd.s32 $0x200, s1;
	[sflag:s10] =	ssyncadd.s32 @!p6 $0xFFFFC000;
	s10 =	simm.s32 @!p6 $0x6  }
0xce: {  	[hbm4b:s20+s3] =	stream.linear.scatter @!p6 [tilespmem:s23], [sflag:$0x7], $0x4000, $0x38;
	[tilespmem:$0x11348] =	vst v63  }
0xcf: {  	s3 =	simm.s32 @!p0 $0x5348;
	s20 =	sadd.s32 $0xFFFFFFFD, s7;
	_ =	swait.ge @!p6 [sflag:s10], $0x4000  }
0xd0: {  	s23 =	sadd.s32 @!p0 $0x100, s13;
	p5 =	sge.u32 s20, s5;
	[sflag:s10] =	ssyncset.done @!p6 $0x0  }
0xd1: {  	s20 =	simm.s32 @!p5 $0x4;
	[sflag:s10] =	ssyncadd.s32 @!p6 $0xFFFFC000;
	s10 =	simm.s32 @!p0 $0x80  }
0xd2: {  	[tilespmem:s3], [sflag:$0x2] =	stream.indirect.gather @!p0 [spmem:s2], $0x80, s23, s10, $0xb8;
	[tilespmem:$0x11348] =	vst v63  }
.Ltmp2:
0xd3: {  	_ = 	snop;
	(pc) =	sbr.rel @p4 .LBB2_5-.Ltmp2, $4  }
0xd4: {  	s6 =	sadd.s32 $0x2000, s6;
	p0 =	sge.u32 @!p5 s7, s5;
	_ =	swait.ge @!p5 [sflag:s20], $0x4000  }
0xd5: {  	s3 =	simm.s32 @!p5 $0x0;
	s7 =	simm.s32 @!p5 $0xD348;
	[sflag:s20] =	ssyncset.done @!p5 $0x0  }
0xd6: {  	s24 =	simm.s32 @!p5 $0x7;
	p6 =	por p0, p5;
	[sflag:s20] =	ssyncadd.s32 @!p5 $0xFFFFC000  }
0xd7: {  	[hbm4b:s9+s3] =	stream.linear.scatter @!p5 [tilespmem:s7], [sflag:$0x8], $0x4000, $0x38;
	[tilespmem:$0x11348] =	vst v63  }
0xd8: {  	_ =	swait.ge @!p5 [sflag:s24], $0x4000  }
0xd9: {  	s0 =	simm.s32 @!p6 $0x80;
	[sflag:s24] =	ssyncset.done @!p5 $0x0;
	s31 =	sld [smem:$0x7FD]  }
0xda: {  	s1 =	simm.s32 @!p6 $0x9348;
	s3 =	sadd.s32 @!p6 $0x180, s13;
	[sflag:s24] =	ssyncadd.s32 @!p5 $0xFFFFC000  }
0xdb: {  	[tilespmem:s1], [sflag:$0x3] =	stream.indirect.gather @!p6 [spmem:s2], $0x80, s3, s0, $0xb8;
	[tilespmem:$0x11348] =	vst v63  }
0xdc: {  	p1 =	seq.s32 s31, $0x1  }
0xdd: {  	s0 =	simm.s32 @p1 $0x8  }
0xde: {  	_ =	swait.ge @p1 [sflag:s0], $0x4000  }
0xdf: {  	s1 =	simm.s32 @!p2 $0xC60;
	[sflag:s0] =	ssyncset.done @p1 $0x0  }
0xe0: {  	s3 =	simm.s32 @!p2 $0x1348;
	[sflag:s0] =	ssyncadd.s32 @p1 $0xFFFFC000;
	s0 =	simm.s32 @!p2 $0x20  }
0xe1: {  	[tilespmem:s3], [sflag:$0x9] =	stream.indirect.gather @!p2 [spmem:s2], $0x80, s1, s0, $0xb8;
	[tilespmem:$0x11348] =	vst v63  }
0xe2: {  	s0 =	simm.s32 @!p2 $0x9  }
0xe3: {  	_ =	swait.ge @!p2 [sflag:s0], $0x1000  }
0xe4: {  	[sflag:s0] =	ssyncset.done @!p2 $0x0  }
0xe5: {  	[sflag:s0] =	ssyncadd.s32 @!p2 $0xFFFFF000;
	s0 =	simm.s32 @!p2 $0x0  }
0xe6: {  	[hbm4b:s15+s0] =	stream.linear.scatter @!p2 [tilespmem:s3], [sflag:$0xA], $0x1000, $0x38;
	[tilespmem:$0x11348] =	vst v63  }
0xe7: {  	s28 =	sadd.s32 $0x1, s28;
	s0 =	simm.s32 @!p2 $0xA  }
0xe8: {  	p0 =	sne.s32 s28, s16;
	_ =	swait.ge @!p2 [sflag:s0], $0x1000  }
.Ltmp3:
0xe9: {  	[sflag:s0] =	ssyncset.done @!p2 $0x0;
	(pc) =	sbr.rel @p0 .LBB2_1-.Ltmp3, $4  }
0xea: {  	[sflag:s0] =	ssyncadd.s32 @!p2 $0xFFFFF000;
	s0 =	simm.s32 @!p1 $0x5  }
0xeb: {  	_ =	swait.ge @!p1 [sflag:s0], $0x4000  }
0xec: {  	[sflag:s0] =	ssyncset.done @!p1 $0x0  }
0xed: {  	s3 =	simm.s32 $0x0;
	[sflag:s0] =	ssyncadd.s32 @!p1 $0xFFFFC000  }
0xee: {  	_ =	sfence.sel $0x180000  }
0xef: {  	[bflag:$0x0] =	sbarrier.arrive $0xFFFF  }
0xf0: {  	_ =	strace $0x90000047  }
0xf1: {  	s0 =	stileid.u32;
	[bflag:$0x2] =	sbarrier.arrive $0xFFFF  }
0xf2: {  	p0 =	sne.s32 s0, $0x0;
	s0 =	rddreg [dreg:$0x4]  }
0xf3: {  	s0 =	sadd.s32 @!p0 $0x100000, s0  }
0xf4: {  	[sflag:s0] =	ssyncadd.tile.s32 @!p0 $0x1;
	_ =	shalt  }
.Lfunc_end2:
_tile_overlayer_lowered:
.L_overlay_start_2:
0xf5: {  	(tag) =	ssettag $0x2  }
0xf6: {  	s0 =	rddreg [dreg:$0x0];
	s2 =	stileid.u32  }
0xf7: {  	s1 =	rddreg [dreg:$0x1];
	p0 =	sne.s32 s2, $0x0  }
0xf8: {  	s3 =	rddreg [dreg:$0x2];
	[bflag:$0x3] =	sbarrier.arrive $0xFFFF;
	s2 =	simm.s32 @!p0 $0x1C0A  }
0xf9: {  	[timem:s3], [sflag:s2] =	dma.local @!p0 [hbm:s0], s1  }
0xfa: {  	s0 =	simm.s32 @!p0 $0xA  }
0xfb: {  	_ =	swait.ge @!p0 [sflag:s0], s1  }
0xfc: {  	s1 =	ssub.s32 @!p0 $0x0, s1;
	[sflag:s0] =	ssyncset.done @!p0 $0x0  }
0xfd: {  	[sflag:s0] =	ssyncadd.s32 @!p0 s1  }
0xfe: {  	[bflag:$0x3] =	sbarrier.arrive $0xFFFF  }
0xff: {  	_ =	shalt  }

</sc_bundles>
